<compile_context>
chip_gen: v7x
topology: tpu7x:2x2x1
jax: 0.10.2.dev20260603
libtpu: 0.0.44.dev20260713+nightly
codegen_flags: <defaults>
</compile_context>

<pallas_src>
import functools

import jax
import jax.numpy as jnp
from jax import lax
from jax.experimental import pallas as pl
from jax.experimental.pallas import tpu as pltpu
from jax.experimental.pallas import tpu_sc as plsc

N = 16384
K = 1024
D = 32
BN = 2048
GRID = N // BN

NS = 16
RPT = N // NS
CPT = K // NS
L = 16
W = 128
W2 = 40
NCH = RPT // 128


def _tc_body(x_ref, c_ref, idx_ref, aug_ref, norm_ref):
    s = pl.program_id(0)
    x = x_ref[...]
    c = c_ref[...]
    aug_ref[:, pl.ds(0, D)] = x
    aug_ref[:, pl.ds(D, W - D)] = jnp.concatenate(
        [jnp.ones((BN, 1), jnp.float32),
         jnp.zeros((BN, W - D - 1), jnp.float32)], axis=1)

    @pl.when(s == 0)
    def _():
        norm_ref[...] = jnp.sum(c * c, axis=1, keepdims=True)

    norm_col = norm_ref[...]
    dott = lax.dot_general(
        c, x, (((1,), (1,)), ((), ())), preferred_element_type=jnp.float32
    )
    dist = norm_col - 2.0 * dott
    mn = jnp.min(dist, axis=0, keepdims=True)
    iota = lax.broadcasted_iota(jnp.int32, (K, BN), 0)
    idx_ref[...] = jnp.min(jnp.where(dist == mn, iota, K), axis=0,
                           keepdims=True)


def _tc_indices(encoded, centroids):
    return pl.pallas_call(
        _tc_body,
        grid=(GRID,),
        in_specs=[
            pl.BlockSpec((BN, D), lambda i: (i, 0)),
            pl.BlockSpec((K, D), lambda i: (0, 0)),
        ],
        out_specs=[
            pl.BlockSpec((1, BN), lambda i: (0, i)),
            pl.BlockSpec((BN, W), lambda i: (i, 0)),
        ],
        out_shape=[
            jax.ShapeDtypeStruct((1, N), jnp.int32),
            jax.ShapeDtypeStruct((N, W), jnp.float32),
        ],
        scratch_shapes=[pltpu.VMEM((K, 1), jnp.float32)],
    )(encoded, centroids)


def _sc_body(idx_hbm, enc_hbm, cent_hbm, out_hbm,
             idx2d, rows_buf0, rows_buf1, keys_loc, keys_piece,
             prod_loc, cent_loc, val_loc,
             prod_sh, keys_sh, sem0, sem1):
    cid = lax.axis_index("c")
    sid = lax.axis_index("s")

    @pl.when(cid == 0)
    def _():
        lane = lax.iota(jnp.int32, L)
        base = sid * RPT
        g0 = sid * CPT

        pltpu.sync_copy(idx_hbm.at[pl.ds(sid * NCH, NCH)], idx2d)

        def zfill(r, _):
            z = jnp.zeros((L,), jnp.float32)
            for h in range(W // L):
                val_loc[r, pl.ds(h * L, L)] = z
            return 0

        lax.fori_loop(0, CPT, zfill, 0)
        pltpu.sync_copy(val_loc, prod_sh.at[pl.ds(g0, CPT)])
        plsc.subcore_barrier()

        bufs = (rows_buf0, rows_buf1)
        sems = (sem0, sem1)
        cps = [None, None]
        cps[0] = pltpu.async_copy(enc_hbm.at[pl.ds(base, 128)], bufs[0],
                                  sems[0])
        for j in range(NCH):
            if j + 1 < NCH:
                cps[(j + 1) % 2] = pltpu.async_copy(
                    enc_hbm.at[pl.ds(base + (j + 1) * 128, 128)],
                    bufs[(j + 1) % 2], sems[(j + 1) % 2])
            cps[j % 2].wait()
            pltpu.sync_copy(bufs[j % 2], prod_sh.at[idx2d.at[j]], add=True)
        plsc.subcore_barrier()

        pltpu.sync_copy(prod_sh.at[pl.ds(g0, CPT)], prod_loc)
        pltpu.sync_copy(cent_hbm.at[pl.ds(g0, CPT)], cent_loc)
        colD = jnp.full((L,), D, jnp.int32)
        for v in range(CPT // L):
            rid_l = L * v + lane
            cv = plsc.load_gather(prod_loc, [rid_l, colD])
            keys_piece[pl.ds(L * v, L)] = (
                cv.astype(jnp.int32) * K + g0 + L * v + lane)
        pltpu.sync_copy(keys_piece, keys_sh.at[pl.ds(g0, CPT)])
        plsc.subcore_barrier()
        pltpu.sync_copy(keys_sh, keys_loc)

        def zstep(j, zacc):
            kj = keys_loc[pl.ds(j * L, L)]
            return zacc + jnp.where(kj < K, 1, 0)

        zacc = lax.fori_loop(0, K // L, zstep, jnp.zeros((L,), jnp.int32))
        nd = jnp.sum(zacc)
        ndv = jnp.full((L,), nd, jnp.int32)

        ki = [keys_loc[pl.ds(g0 + L * v, L)] for v in range(CPT // L)]

        RU = 4

        def rstep(j, racc):
            kjs = [plsc.load_gather(
                keys_loc, [jnp.full((L,), RU * j + u, jnp.int32)])
                for u in range(RU)]
            out = []
            for v in range(CPT // L):
                acc = racc[v]
                for u in range(RU):
                    acc = acc + jnp.where(kjs[u] < ki[v], 1, 0)
                out.append(acc)
            return tuple(out)

        racc = lax.fori_loop(
            0, K // RU, rstep,
            tuple(jnp.zeros((L,), jnp.int32) for _ in range(CPT // L)))

        for v in range(CPT // L):
            gv = g0 + L * v + lane
            rid_l = L * v + lane
            used = ki[v] >= K
            d_drop = jnp.where(used, racc[v] - ndv, (K - ndv) + racc[v])
            dest_v = jnp.where(ndv > 0, d_drop, gv)
            cnts_f = plsc.load_gather(prod_loc, [rid_l, colD])

            def colstep(cc, _):
                colv = jnp.full((L,), cc, jnp.int32)
                pv = plsc.load_gather(prod_loc, [rid_l, colv])
                ce = plsc.load_gather(cent_loc, [rid_l, colv])
                res = jnp.where(cnts_f > 0.0,
                                pv / jnp.maximum(cnts_f, 1.0), ce)
                plsc.store_scatter(val_loc, [rid_l, colv], res)
                return 0

            lax.fori_loop(0, D, colstep, 0)
            pltpu.sync_copy(val_loc.at[pl.ds(L * v, L)], out_hbm.at[dest_v])


@functools.cache
def _make_sc_update():
    return functools.partial(
            pl.kernel,
        out_type=jax.ShapeDtypeStruct((K, W), jnp.float32),
        mesh=plsc.VectorSubcoreMesh(core_axis_name="c", subcore_axis_name="s"),
        compiler_params=pltpu.CompilerParams(needs_layout_passes=False),
        scratch_types=[
            pltpu.VMEM((NCH, 128), jnp.int32),
            pltpu.VMEM((128, W), jnp.float32),
            pltpu.VMEM((128, W), jnp.float32),
            pltpu.VMEM((K,), jnp.int32),
            pltpu.VMEM((CPT,), jnp.int32),
            pltpu.VMEM((CPT, W), jnp.float32),
            pltpu.VMEM((CPT, D), jnp.float32),
            pltpu.VMEM((CPT, W), jnp.float32),
            pltpu.VMEM_SHARED((K, W), jnp.float32),
            pltpu.VMEM_SHARED((K,), jnp.int32),
            pltpu.SemaphoreType.DMA,
            pltpu.SemaphoreType.DMA,
        ],
    )(_sc_body)


def kernel(encoded, centroids):
    idx, enc_aug = _tc_indices(encoded, centroids)
    out = _make_sc_update()(
        jnp.reshape(idx, (N // 128, 128)), enc_aug, centroids)
    return out[:, :D]

# --- scband reference (transcript-rebuilt; emitter-appended) ---
"""Pipeline reference for scband-base-vector-quantizer-10634339024989 (READ-ONLY COPY).

The authoritative reference and input builder live on the scoring server;
editing this copy changes nothing except your own understanding.
"""

import jax, jax.numpy as jnp
import numpy as np

N = 16384
K = 1024
D = 32


def setup_inputs(seed: int = 0) -> dict:
    key = jax.random.key(seed)
    k1, k2 = jax.random.split(key)
    encoded = jax.random.normal(k1, (N, D), dtype=jnp.float32)
    centroids = jax.random.normal(k2, (K, D), dtype=jnp.float32)
    return {"encoded": encoded, "centroids": centroids}


def _kmeans_update(encoded, centroids):
    codebook_size = centroids.shape[0]
    dtype = encoded.dtype
    # distance (up to a constant ||x||^2 which does not affect argmin)
    norm = jnp.sum(centroids ** 2, axis=-1)
    dot = jnp.matmul(encoded, centroids.T)
    distance = norm - 2.0 * dot
    indices = jnp.argmin(distance, axis=-1)
    # counts of assignments per centroid (== assignments.sum(-1) in torch code)
    counts = jnp.bincount(indices, length=codebook_size)
    num_used = jnp.sum(counts > 0)
    num_drops = codebook_size - num_used
    # prod = one_hot(indices).T @ encoded  ==  segment_sum of encoded by indices
    prod = jax.ops.segment_sum(encoded, indices, num_segments=codebook_size)
    # updated centroids where count > 0 (safe division; zero-count rows unused)
    safe_counts = jnp.maximum(counts, 1).astype(dtype)
    updated = prod / safe_counts[:, None]
    # ascending sort of usage counts (least used first)
    order = jnp.argsort(counts)

    def drop_branch(args):
        updated_, centroids_, order_, num_drops_ = args
        j = jnp.arange(codebook_size)
        num_keep = codebook_size - num_drops_
        # output[j] for j < num_keep  -> updated[order[num_drops + j]] (most used)
        # output[j] for j >= num_keep -> centroids[order[j - num_keep]] (least used, kept as-is)
        idx_used = jnp.take(order_, jnp.minimum(num_drops_ + j, codebook_size - 1))
        idx_unused = jnp.take(order_, jnp.maximum(j - num_keep, 0))
        take_used = j < num_keep
        return jnp.where(
            take_used[:, None],
            jnp.take(updated_, idx_used, axis=0),
            jnp.take(centroids_, idx_unused, axis=0),
        )

    def no_drop_branch(args):
        updated_, centroids_, order_, num_drops_ = args
        return updated_

    new_centroids = jax.lax.cond(
        num_drops > 0, drop_branch, no_drop_branch, (updated, centroids, order, num_drops)
    )
    return new_centroids


def reference(encoded, centroids):
    return _kmeans_update(encoded, centroids)

if __name__ == "__main__":
    import jax
    _d = setup_inputs()
    print(jax.jit(kernel)(*tuple(_d.values())))

</pallas_src>

<mosaic_0001>
#map = affine_map<(d0, d1) -> (0, 0)>
module attributes {stable_mosaic.version = 14 : i64} {
  func.func @_sc_body(%arg0: i32, %arg1: i32, %arg2: memref<128x128xi32, #tpu.memory_space<hbm>>, %arg3: memref<16384x128xf32, #tpu.memory_space<hbm>>, %arg4: memref<1024x32xf32, #tpu.memory_space<hbm>>, %arg5: memref<1024x128xf32, #tpu.memory_space<hbm>>, %arg6: memref<8x128xi32, #tpu.memory_space<vmem>>, %arg7: memref<128x128xf32, #tpu.memory_space<vmem>>, %arg8: memref<128x128xf32, #tpu.memory_space<vmem>>, %arg9: memref<1024xi32, #tpu.memory_space<vmem>>, %arg10: memref<64xi32, #tpu.memory_space<vmem>>, %arg11: memref<64x128xf32, #tpu.memory_space<vmem>>, %arg12: memref<64x32xf32, #tpu.memory_space<vmem>>, %arg13: memref<64x128xf32, #tpu.memory_space<vmem>>, %arg14: memref<1024x128xf32, #tpu.memory_space<vmem_shared>>, %arg15: memref<1024xi32, #tpu.memory_space<vmem_shared>>, %arg16: memref<!tpu.dma_semaphore, #tpu.memory_space<semaphore_mem>>, %arg17: memref<!tpu.dma_semaphore, #tpu.memory_space<semaphore_mem>>) attributes {dimension_semantics = [#tpu.dimension_semantics<core_parallel>, #tpu.dimension_semantics<subcore_parallel>], iteration_bounds = array<i64: 2, 16>, scalar_prefetch = 0 : i64, scratch_operands = 12 : i64, tpu.core_type = #tpu.core_type<sc_vector_subcore>, window_params = [{transform_indices = #map}, {transform_indices = #map}, {transform_indices = #map}, {transform_indices = #map}]} {
    %eq3A = arith.constant 0 : i32
    %eq3A_0 = arith.cmpi eq, %arg0, %eq3A : i32
    %convert_element_type3A = arith.extui %eq3A_0 : i1 to i32
    %cond3A = arith.constant 0 : i32
    %cond3A_1 = arith.cmpi ne, %convert_element_type3A, %cond3A : i32
    scf.if %cond3A_1 {
      %iota3A = tpu.iota {dimensions = array<i32: 0>} : vector<16xi32>
      %mul3A = arith.constant 1024 : i32
      %mul3A_2 = arith.muli %arg1, %mul3A : i32
      %mul3A_3 = arith.constant 64 : i32
      %mul3A_4 = arith.muli %arg1, %mul3A_3 : i32
      %mul3A_5 = arith.constant 8 : i32
      %mul3A_6 = arith.muli %arg1, %mul3A_5 : i32
      "tpu.region"() ({
        %run_scoped3A_309 = tpu.sem_alloc : memref<!tpu.dma_semaphore, #tpu.memory_space<semaphore_mem>>
        %dma_start3A_310 = arith.constant 0 : i32
        %dma_start3A_311 = tpu.memref_slice %arg2[%mul3A_6, %dma_start3A_310] : memref<128x128xi32, #tpu.memory_space<hbm>> -> memref<8x128xi32, #tpu.memory_space<hbm>>
        %dma_start3A_312 = arith.constant 0 : i32
        %dma_start3A_313 = tpu.memref_slice %arg2[%mul3A_6, %dma_start3A_312] : memref<128x128xi32, #tpu.memory_space<hbm>> -> memref<8x128xi32, #tpu.memory_space<hbm>>
        tpu.enqueue_dma source(%dma_start3A_313 : memref<8x128xi32, #tpu.memory_space<hbm>>) target(%arg6 : memref<8x128xi32, #tpu.memory_space<vmem>>) target_semaphore(%run_scoped3A_309 : memref<!tpu.dma_semaphore, #tpu.memory_space<semaphore_mem>>)
        %dma_wait3A_314 = arith.constant 0 : i32
        %dma_wait3A_315 = tpu.memref_slice %arg2[%mul3A_6, %dma_wait3A_314] : memref<128x128xi32, #tpu.memory_space<hbm>> -> memref<8x128xi32, #tpu.memory_space<hbm>>
        %dma_wait3A_316 = arith.constant 0 : i32
        %dma_wait3A_317 = tpu.memref_slice %arg2[%mul3A_6, %dma_wait3A_316] : memref<128x128xi32, #tpu.memory_space<hbm>> -> memref<8x128xi32, #tpu.memory_space<hbm>>
        tpu.wait_dma2 semaphore(%run_scoped3A_309 : memref<!tpu.dma_semaphore, #tpu.memory_space<semaphore_mem>>) src(%dma_wait3A_317 : memref<8x128xi32, #tpu.memory_space<hbm>>) dst(%arg6 : memref<8x128xi32, #tpu.memory_space<vmem>>)
        tpu.yield
      }) : () -> ()
      %scan3A = arith.constant 0 : i32
      %scan3A_7 = arith.constant 0 : i32
      %scan3A_8 = arith.constant 64 : i32
      %scan3A_9 = arith.addi %scan3A_7, %scan3A_8 : i32
      %scan3A_10 = arith.constant 1 : i32
      %scan3A_11 = scf.for %scan3A_309 = %scan3A_7 to %scan3A_9 step %scan3A_10 iter_args(%scan3A_310 = %scan3A) -> (i32)  : i32 {
        %broadcast_in_dim3A_311 = arith.constant 0.000000e+00 : f32
        %broadcast_in_dim3A_312 = vector.broadcast %broadcast_in_dim3A_311 : f32 to vector<16xf32>
        %swap3A_313 = arith.index_cast %scan3A_309 : i32 to index
        %swap3A_314 = arith.constant 0 : index
        %swap3A_315 = tpu.vector_load %arg13[%swap3A_313, %swap3A_314] {strides = array<i32>} : memref<64x128xf32, #tpu.memory_space<vmem>>, vector<16xf32>,
        tpu.vector_store %arg13[%swap3A_313, %swap3A_314], %broadcast_in_dim3A_312 {strides = array<i32>} : memref<64x128xf32, #tpu.memory_space<vmem>>, vector<16xf32>,
        %swap3A_316 = arith.index_cast %scan3A_309 : i32 to index
        %swap3A_317 = arith.constant 16 : index
        %swap3A_318 = tpu.vector_load %arg13[%swap3A_316, %swap3A_317] {strides = array<i32>} : memref<64x128xf32, #tpu.memory_space<vmem>>, vector<16xf32>,
        tpu.vector_store %arg13[%swap3A_316, %swap3A_317], %broadcast_in_dim3A_312 {strides = array<i32>} : memref<64x128xf32, #tpu.memory_space<vmem>>, vector<16xf32>,
        %swap3A_319 = arith.index_cast %scan3A_309 : i32 to index
        %swap3A_320 = arith.constant 32 : index
        %swap3A_321 = tpu.vector_load %arg13[%swap3A_319, %swap3A_320] {strides = array<i32>} : memref<64x128xf32, #tpu.memory_space<vmem>>, vector<16xf32>,
        tpu.vector_store %arg13[%swap3A_319, %swap3A_320], %broadcast_in_dim3A_312 {strides = array<i32>} : memref<64x128xf32, #tpu.memory_space<vmem>>, vector<16xf32>,
        %swap3A_322 = arith.index_cast %scan3A_309 : i32 to index
        %swap3A_323 = arith.constant 48 : index
        %swap3A_324 = tpu.vector_load %arg13[%swap3A_322, %swap3A_323] {strides = array<i32>} : memref<64x128xf32, #tpu.memory_space<vmem>>, vector<16xf32>,
        tpu.vector_store %arg13[%swap3A_322, %swap3A_323], %broadcast_in_dim3A_312 {strides = array<i32>} : memref<64x128xf32, #tpu.memory_space<vmem>>, vector<16xf32>,
        %swap3A_325 = arith.index_cast %scan3A_309 : i32 to index
        %swap3A_326 = arith.constant 64 : index
        %swap3A_327 = tpu.vector_load %arg13[%swap3A_325, %swap3A_326] {strides = array<i32>} : memref<64x128xf32, #tpu.memory_space<vmem>>, vector<16xf32>,
        tpu.vector_store %arg13[%swap3A_325, %swap3A_326], %broadcast_in_dim3A_312 {strides = array<i32>} : memref<64x128xf32, #tpu.memory_space<vmem>>, vector<16xf32>,
        %swap3A_328 = arith.index_cast %scan3A_309 : i32 to index
        %swap3A_329 = arith.constant 80 : index
        %swap3A_330 = tpu.vector_load %arg13[%swap3A_328, %swap3A_329] {strides = array<i32>} : memref<64x128xf32, #tpu.memory_space<vmem>>, vector<16xf32>,
        tpu.vector_store %arg13[%swap3A_328, %swap3A_329], %broadcast_in_dim3A_312 {strides = array<i32>} : memref<64x128xf32, #tpu.memory_space<vmem>>, vector<16xf32>,
        %swap3A_331 = arith.index_cast %scan3A_309 : i32 to index
        %swap3A_332 = arith.constant 96 : index
        %swap3A_333 = tpu.vector_load %arg13[%swap3A_331, %swap3A_332] {strides = array<i32>} : memref<64x128xf32, #tpu.memory_space<vmem>>, vector<16xf32>,
        tpu.vector_store %arg13[%swap3A_331, %swap3A_332], %broadcast_in_dim3A_312 {strides = array<i32>} : memref<64x128xf32, #tpu.memory_space<vmem>>, vector<16xf32>,
        %swap3A_334 = arith.index_cast %scan3A_309 : i32 to index
        %swap3A_335 = arith.constant 112 : index
        %swap3A_336 = tpu.vector_load %arg13[%swap3A_334, %swap3A_335] {strides = array<i32>} : memref<64x128xf32, #tpu.memory_space<vmem>>, vector<16xf32>,
        tpu.vector_store %arg13[%swap3A_334, %swap3A_335], %broadcast_in_dim3A_312 {strides = array<i32>} : memref<64x128xf32, #tpu.memory_space<vmem>>, vector<16xf32>,
        %scan3A_337 = arith.constant 0 : i32
        scf.yield %scan3A_337 : i32
      }
      %scan3A_12 = arith.constant 64 : i32
      "tpu.region"() ({
        %run_scoped3A_309 = tpu.sem_alloc : memref<!tpu.dma_semaphore, #tpu.memory_space<semaphore_mem>>
        %dma_start3A_310 = arith.constant 0 : i32
        %dma_start3A_311 = tpu.memref_slice %arg14[%mul3A_4, %dma_start3A_310] : memref<1024x128xf32, #tpu.memory_space<vmem_shared>> -> memref<64x128xf32, #tpu.memory_space<vmem_shared>>
        %dma_start3A_312 = arith.constant 0 : i32
        %dma_start3A_313 = tpu.memref_slice %arg14[%mul3A_4, %dma_start3A_312] : memref<1024x128xf32, #tpu.memory_space<vmem_shared>> -> memref<64x128xf32, #tpu.memory_space<vmem_shared>>
        tpu.enqueue_dma source(%arg13 : memref<64x128xf32, #tpu.memory_space<vmem>>) target(%dma_start3A_313 : memref<64x128xf32, #tpu.memory_space<vmem_shared>>) target_semaphore(%run_scoped3A_309 : memref<!tpu.dma_semaphore, #tpu.memory_space<semaphore_mem>>)
        %dma_wait3A_314 = arith.constant 0 : i32
        %dma_wait3A_315 = tpu.memref_slice %arg14[%mul3A_4, %dma_wait3A_314] : memref<1024x128xf32, #tpu.memory_space<vmem_shared>> -> memref<64x128xf32, #tpu.memory_space<vmem_shared>>
        %dma_wait3A_316 = arith.constant 0 : i32
        %dma_wait3A_317 = tpu.memref_slice %arg14[%mul3A_4, %dma_wait3A_316] : memref<1024x128xf32, #tpu.memory_space<vmem_shared>> -> memref<64x128xf32, #tpu.memory_space<vmem_shared>>
        tpu.wait_dma2 semaphore(%run_scoped3A_309 : memref<!tpu.dma_semaphore, #tpu.memory_space<semaphore_mem>>) src(%arg13 : memref<64x128xf32, #tpu.memory_space<vmem>>) dst(%dma_wait3A_317 : memref<64x128xf32, #tpu.memory_space<vmem_shared>>)
        tpu.yield
      }) : () -> ()
      %barrier3A = arith.constant 0 : index
      tpu.barrier barrier_id(%barrier3A)
      %dma_start3A = arith.constant 0 : i32
      %dma_start3A_13 = tpu.memref_slice %arg3[%mul3A_2, %dma_start3A] : memref<16384x128xf32, #tpu.memory_space<hbm>> -> memref<128x128xf32, #tpu.memory_space<hbm>>
      %dma_start3A_14 = arith.constant 0 : i32
      %dma_start3A_15 = tpu.memref_slice %arg3[%mul3A_2, %dma_start3A_14] : memref<16384x128xf32, #tpu.memory_space<hbm>> -> memref<128x128xf32, #tpu.memory_space<hbm>>
      tpu.enqueue_dma source(%dma_start3A_15 : memref<128x128xf32, #tpu.memory_space<hbm>>) target(%arg7 : memref<128x128xf32, #tpu.memory_space<vmem>>) target_semaphore(%arg16 : memref<!tpu.dma_semaphore, #tpu.memory_space<semaphore_mem>>)
      %add3A = arith.constant 128 : i32
      %add3A_16 = arith.addi %mul3A_2, %add3A : i32
      %dma_start3A_17 = arith.constant 0 : i32
      %dma_start3A_18 = tpu.memref_slice %arg3[%add3A_16, %dma_start3A_17] : memref<16384x128xf32, #tpu.memory_space<hbm>> -> memref<128x128xf32, #tpu.memory_space<hbm>>
      %dma_start3A_19 = arith.constant 0 : i32
      %dma_start3A_20 = tpu.memref_slice %arg3[%add3A_16, %dma_start3A_19] : memref<16384x128xf32, #tpu.memory_space<hbm>> -> memref<128x128xf32, #tpu.memory_space<hbm>>
      tpu.enqueue_dma source(%dma_start3A_20 : memref<128x128xf32, #tpu.memory_space<hbm>>) target(%arg8 : memref<128x128xf32, #tpu.memory_space<vmem>>) target_semaphore(%arg17 : memref<!tpu.dma_semaphore, #tpu.memory_space<semaphore_mem>>)
      %dma_wait3A = arith.constant 0 : i32
      %dma_wait3A_21 = tpu.memref_slice %arg3[%mul3A_2, %dma_wait3A] : memref<16384x128xf32, #tpu.memory_space<hbm>> -> memref<128x128xf32, #tpu.memory_space<hbm>>
      %dma_wait3A_22 = arith.constant 0 : i32
      %dma_wait3A_23 = tpu.memref_slice %arg3[%mul3A_2, %dma_wait3A_22] : memref<16384x128xf32, #tpu.memory_space<hbm>> -> memref<128x128xf32, #tpu.memory_space<hbm>>
      tpu.wait_dma2 semaphore(%arg16 : memref<!tpu.dma_semaphore, #tpu.memory_space<semaphore_mem>>) src(%dma_wait3A_23 : memref<128x128xf32, #tpu.memory_space<hbm>>) dst(%arg7 : memref<128x128xf32, #tpu.memory_space<vmem>>)
      %run_scoped3A = arith.constant 0 : i32
      "tpu.region"() ({
        %run_scoped3A_309 = tpu.sem_alloc : memref<!tpu.dma_semaphore, #tpu.memory_space<semaphore_mem>>
        %dma_start3A_310 = arith.constant 0 : i32
        %dma_start3A_311 = tpu.memref_slice %arg6[%run_scoped3A, %dma_start3A_310] : memref<8x128xi32, #tpu.memory_space<vmem>> -> memref<1x128xi32, #tpu.memory_space<vmem>>
        %dma_start3A_312 = tpu.memref_squeeze %dma_start3A_311 : memref<1x128xi32, #tpu.memory_space<vmem>> -> memref<128xi32, #tpu.memory_space<vmem>>
        %dma_start3A_313 = arith.constant 0 : i32
        %dma_start3A_314 = arith.constant 0 : i32
        %dma_start3A_315 = tpu.memref_slice %arg14[%dma_start3A_313, %dma_start3A_314] : memref<1024x128xf32, #tpu.memory_space<vmem_shared>> -> memref<1024x128xf32, #tpu.memory_space<vmem_shared>>
        tpu.enqueue_indirect_dma source(%arg7 : memref<128x128xf32, #tpu.memory_space<vmem>>) target(%dma_start3A_315 : memref<1024x128xf32, #tpu.memory_space<vmem_shared>>) offsets(%dma_start3A_312 : memref<128xi32, #tpu.memory_space<vmem>>) semaphore(%run_scoped3A_309 : memref<!tpu.dma_semaphore, #tpu.memory_space<semaphore_mem>>) {add = true}
        %dma_wait3A_316 = arith.constant 0 : i32
        %dma_wait3A_317 = tpu.memref_slice %arg6[%run_scoped3A, %dma_wait3A_316] : memref<8x128xi32, #tpu.memory_space<vmem>> -> memref<1x128xi32, #tpu.memory_space<vmem>>
        %dma_wait3A_318 = tpu.memref_squeeze %dma_wait3A_317 : memref<1x128xi32, #tpu.memory_space<vmem>> -> memref<128xi32, #tpu.memory_space<vmem>>
        %dma_wait3A_319 = arith.constant 0 : i32
        %dma_wait3A_320 = arith.constant 0 : i32
        %dma_wait3A_321 = tpu.memref_slice %arg14[%dma_wait3A_319, %dma_wait3A_320] : memref<1024x128xf32, #tpu.memory_space<vmem_shared>> -> memref<1024x128xf32, #tpu.memory_space<vmem_shared>>
        tpu.wait_indirect_dma semaphore(%run_scoped3A_309 : memref<!tpu.dma_semaphore, #tpu.memory_space<semaphore_mem>>) src(%arg7 : memref<128x128xf32, #tpu.memory_space<vmem>>) dst(%dma_wait3A_321 : memref<1024x128xf32, #tpu.memory_space<vmem_shared>>)
        tpu.yield
      }) : () -> ()
      %add3A_24 = arith.constant 256 : i32
      %add3A_25 = arith.addi %mul3A_2, %add3A_24 : i32
      %dma_start3A_26 = arith.constant 0 : i32
      %dma_start3A_27 = tpu.memref_slice %arg3[%add3A_25, %dma_start3A_26] : memref<16384x128xf32, #tpu.memory_space<hbm>> -> memref<128x128xf32, #tpu.memory_space<hbm>>
      %dma_start3A_28 = arith.constant 0 : i32
      %dma_start3A_29 = tpu.memref_slice %arg3[%add3A_25, %dma_start3A_28] : memref<16384x128xf32, #tpu.memory_space<hbm>> -> memref<128x128xf32, #tpu.memory_space<hbm>>
      tpu.enqueue_dma source(%dma_start3A_29 : memref<128x128xf32, #tpu.memory_space<hbm>>) target(%arg7 : memref<128x128xf32, #tpu.memory_space<vmem>>) target_semaphore(%arg16 : memref<!tpu.dma_semaphore, #tpu.memory_space<semaphore_mem>>)
      %dma_wait3A_30 = arith.constant 0 : i32
      %dma_wait3A_31 = tpu.memref_slice %arg3[%add3A_16, %dma_wait3A_30] : memref<16384x128xf32, #tpu.memory_space<hbm>> -> memref<128x128xf32, #tpu.memory_space<hbm>>
      %dma_wait3A_32 = arith.constant 0 : i32
      %dma_wait3A_33 = tpu.memref_slice %arg3[%add3A_16, %dma_wait3A_32] : memref<16384x128xf32, #tpu.memory_space<hbm>> -> memref<128x128xf32, #tpu.memory_space<hbm>>
      tpu.wait_dma2 semaphore(%arg17 : memref<!tpu.dma_semaphore, #tpu.memory_space<semaphore_mem>>) src(%dma_wait3A_33 : memref<128x128xf32, #tpu.memory_space<hbm>>) dst(%arg8 : memref<128x128xf32, #tpu.memory_space<vmem>>)
      %run_scoped3A_34 = arith.constant 1 : i32
      "tpu.region"() ({
        %run_scoped3A_309 = tpu.sem_alloc : memref<!tpu.dma_semaphore, #tpu.memory_space<semaphore_mem>>
        %dma_start3A_310 = arith.constant 0 : i32
        %dma_start3A_311 = tpu.memref_slice %arg6[%run_scoped3A_34, %dma_start3A_310] : memref<8x128xi32, #tpu.memory_space<vmem>> -> memref<1x128xi32, #tpu.memory_space<vmem>>
        %dma_start3A_312 = tpu.memref_squeeze %dma_start3A_311 : memref<1x128xi32, #tpu.memory_space<vmem>> -> memref<128xi32, #tpu.memory_space<vmem>>
        %dma_start3A_313 = arith.constant 0 : i32
        %dma_start3A_314 = arith.constant 0 : i32
        %dma_start3A_315 = tpu.memref_slice %arg14[%dma_start3A_313, %dma_start3A_314] : memref<1024x128xf32, #tpu.memory_space<vmem_shared>> -> memref<1024x128xf32, #tpu.memory_space<vmem_shared>>
        tpu.enqueue_indirect_dma source(%arg8 : memref<128x128xf32, #tpu.memory_space<vmem>>) target(%dma_start3A_315 : memref<1024x128xf32, #tpu.memory_space<vmem_shared>>) offsets(%dma_start3A_312 : memref<128xi32, #tpu.memory_space<vmem>>) semaphore(%run_scoped3A_309 : memref<!tpu.dma_semaphore, #tpu.memory_space<semaphore_mem>>) {add = true}
        %dma_wait3A_316 = arith.constant 0 : i32
        %dma_wait3A_317 = tpu.memref_slice %arg6[%run_scoped3A_34, %dma_wait3A_316] : memref<8x128xi32, #tpu.memory_space<vmem>> -> memref<1x128xi32, #tpu.memory_space<vmem>>
        %dma_wait3A_318 = tpu.memref_squeeze %dma_wait3A_317 : memref<1x128xi32, #tpu.memory_space<vmem>> -> memref<128xi32, #tpu.memory_space<vmem>>
        %dma_wait3A_319 = arith.constant 0 : i32
        %dma_wait3A_320 = arith.constant 0 : i32
        %dma_wait3A_321 = tpu.memref_slice %arg14[%dma_wait3A_319, %dma_wait3A_320] : memref<1024x128xf32, #tpu.memory_space<vmem_shared>> -> memref<1024x128xf32, #tpu.memory_space<vmem_shared>>
        tpu.wait_indirect_dma semaphore(%run_scoped3A_309 : memref<!tpu.dma_semaphore, #tpu.memory_space<semaphore_mem>>) src(%arg8 : memref<128x128xf32, #tpu.memory_space<vmem>>) dst(%dma_wait3A_321 : memref<1024x128xf32, #tpu.memory_space<vmem_shared>>)
        tpu.yield
      }) : () -> ()
      %add3A_35 = arith.constant 384 : i32
      %add3A_36 = arith.addi %mul3A_2, %add3A_35 : i32
      %dma_start3A_37 = arith.constant 0 : i32
      %dma_start3A_38 = tpu.memref_slice %arg3[%add3A_36, %dma_start3A_37] : memref<16384x128xf32, #tpu.memory_space<hbm>> -> memref<128x128xf32, #tpu.memory_space<hbm>>
      %dma_start3A_39 = arith.constant 0 : i32
      %dma_start3A_40 = tpu.memref_slice %arg3[%add3A_36, %dma_start3A_39] : memref<16384x128xf32, #tpu.memory_space<hbm>> -> memref<128x128xf32, #tpu.memory_space<hbm>>
      tpu.enqueue_dma source(%dma_start3A_40 : memref<128x128xf32, #tpu.memory_space<hbm>>) target(%arg8 : memref<128x128xf32, #tpu.memory_space<vmem>>) target_semaphore(%arg17 : memref<!tpu.dma_semaphore, #tpu.memory_space<semaphore_mem>>)
      %dma_wait3A_41 = arith.constant 0 : i32
      %dma_wait3A_42 = tpu.memref_slice %arg3[%add3A_25, %dma_wait3A_41] : memref<16384x128xf32, #tpu.memory_space<hbm>> -> memref<128x128xf32, #tpu.memory_space<hbm>>
      %dma_wait3A_43 = arith.constant 0 : i32
      %dma_wait3A_44 = tpu.memref_slice %arg3[%add3A_25, %dma_wait3A_43] : memref<16384x128xf32, #tpu.memory_space<hbm>> -> memref<128x128xf32, #tpu.memory_space<hbm>>
      tpu.wait_dma2 semaphore(%arg16 : memref<!tpu.dma_semaphore, #tpu.memory_space<semaphore_mem>>) src(%dma_wait3A_44 : memref<128x128xf32, #tpu.memory_space<hbm>>) dst(%arg7 : memref<128x128xf32, #tpu.memory_space<vmem>>)
      %run_scoped3A_45 = arith.constant 2 : i32
      "tpu.region"() ({
        %run_scoped3A_309 = tpu.sem_alloc : memref<!tpu.dma_semaphore, #tpu.memory_space<semaphore_mem>>
        %dma_start3A_310 = arith.constant 0 : i32
        %dma_start3A_311 = tpu.memref_slice %arg6[%run_scoped3A_45, %dma_start3A_310] : memref<8x128xi32, #tpu.memory_space<vmem>> -> memref<1x128xi32, #tpu.memory_space<vmem>>
        %dma_start3A_312 = tpu.memref_squeeze %dma_start3A_311 : memref<1x128xi32, #tpu.memory_space<vmem>> -> memref<128xi32, #tpu.memory_space<vmem>>
        %dma_start3A_313 = arith.constant 0 : i32
        %dma_start3A_314 = arith.constant 0 : i32
        %dma_start3A_315 = tpu.memref_slice %arg14[%dma_start3A_313, %dma_start3A_314] : memref<1024x128xf32, #tpu.memory_space<vmem_shared>> -> memref<1024x128xf32, #tpu.memory_space<vmem_shared>>
        tpu.enqueue_indirect_dma source(%arg7 : memref<128x128xf32, #tpu.memory_space<vmem>>) target(%dma_start3A_315 : memref<1024x128xf32, #tpu.memory_space<vmem_shared>>) offsets(%dma_start3A_312 : memref<128xi32, #tpu.memory_space<vmem>>) semaphore(%run_scoped3A_309 : memref<!tpu.dma_semaphore, #tpu.memory_space<semaphore_mem>>) {add = true}
        %dma_wait3A_316 = arith.constant 0 : i32
        %dma_wait3A_317 = tpu.memref_slice %arg6[%run_scoped3A_45, %dma_wait3A_316] : memref<8x128xi32, #tpu.memory_space<vmem>> -> memref<1x128xi32, #tpu.memory_space<vmem>>
        %dma_wait3A_318 = tpu.memref_squeeze %dma_wait3A_317 : memref<1x128xi32, #tpu.memory_space<vmem>> -> memref<128xi32, #tpu.memory_space<vmem>>
        %dma_wait3A_319 = arith.constant 0 : i32
        %dma_wait3A_320 = arith.constant 0 : i32
        %dma_wait3A_321 = tpu.memref_slice %arg14[%dma_wait3A_319, %dma_wait3A_320] : memref<1024x128xf32, #tpu.memory_space<vmem_shared>> -> memref<1024x128xf32, #tpu.memory_space<vmem_shared>>
        tpu.wait_indirect_dma semaphore(%run_scoped3A_309 : memref<!tpu.dma_semaphore, #tpu.memory_space<semaphore_mem>>) src(%arg7 : memref<128x128xf32, #tpu.memory_space<vmem>>) dst(%dma_wait3A_321 : memref<1024x128xf32, #tpu.memory_space<vmem_shared>>)
        tpu.yield
      }) : () -> ()
      %add3A_46 = arith.constant 512 : i32
      %add3A_47 = arith.addi %mul3A_2, %add3A_46 : i32
      %dma_start3A_48 = arith.constant 0 : i32
      %dma_start3A_49 = tpu.memref_slice %arg3[%add3A_47, %dma_start3A_48] : memref<16384x128xf32, #tpu.memory_space<hbm>> -> memref<128x128xf32, #tpu.memory_space<hbm>>
      %dma_start3A_50 = arith.constant 0 : i32
      %dma_start3A_51 = tpu.memref_slice %arg3[%add3A_47, %dma_start3A_50] : memref<16384x128xf32, #tpu.memory_space<hbm>> -> memref<128x128xf32, #tpu.memory_space<hbm>>
      tpu.enqueue_dma source(%dma_start3A_51 : memref<128x128xf32, #tpu.memory_space<hbm>>) target(%arg7 : memref<128x128xf32, #tpu.memory_space<vmem>>) target_semaphore(%arg16 : memref<!tpu.dma_semaphore, #tpu.memory_space<semaphore_mem>>)
      %dma_wait3A_52 = arith.constant 0 : i32
      %dma_wait3A_53 = tpu.memref_slice %arg3[%add3A_36, %dma_wait3A_52] : memref<16384x128xf32, #tpu.memory_space<hbm>> -> memref<128x128xf32, #tpu.memory_space<hbm>>
      %dma_wait3A_54 = arith.constant 0 : i32
      %dma_wait3A_55 = tpu.memref_slice %arg3[%add3A_36, %dma_wait3A_54] : memref<16384x128xf32, #tpu.memory_space<hbm>> -> memref<128x128xf32, #tpu.memory_space<hbm>>
      tpu.wait_dma2 semaphore(%arg17 : memref<!tpu.dma_semaphore, #tpu.memory_space<semaphore_mem>>) src(%dma_wait3A_55 : memref<128x128xf32, #tpu.memory_space<hbm>>) dst(%arg8 : memref<128x128xf32, #tpu.memory_space<vmem>>)
      %run_scoped3A_56 = arith.constant 3 : i32
      "tpu.region"() ({
        %run_scoped3A_309 = tpu.sem_alloc : memref<!tpu.dma_semaphore, #tpu.memory_space<semaphore_mem>>
        %dma_start3A_310 = arith.constant 0 : i32
        %dma_start3A_311 = tpu.memref_slice %arg6[%run_scoped3A_56, %dma_start3A_310] : memref<8x128xi32, #tpu.memory_space<vmem>> -> memref<1x128xi32, #tpu.memory_space<vmem>>
        %dma_start3A_312 = tpu.memref_squeeze %dma_start3A_311 : memref<1x128xi32, #tpu.memory_space<vmem>> -> memref<128xi32, #tpu.memory_space<vmem>>
        %dma_start3A_313 = arith.constant 0 : i32
        %dma_start3A_314 = arith.constant 0 : i32
        %dma_start3A_315 = tpu.memref_slice %arg14[%dma_start3A_313, %dma_start3A_314] : memref<1024x128xf32, #tpu.memory_space<vmem_shared>> -> memref<1024x128xf32, #tpu.memory_space<vmem_shared>>
        tpu.enqueue_indirect_dma source(%arg8 : memref<128x128xf32, #tpu.memory_space<vmem>>) target(%dma_start3A_315 : memref<1024x128xf32, #tpu.memory_space<vmem_shared>>) offsets(%dma_start3A_312 : memref<128xi32, #tpu.memory_space<vmem>>) semaphore(%run_scoped3A_309 : memref<!tpu.dma_semaphore, #tpu.memory_space<semaphore_mem>>) {add = true}
        %dma_wait3A_316 = arith.constant 0 : i32
        %dma_wait3A_317 = tpu.memref_slice %arg6[%run_scoped3A_56, %dma_wait3A_316] : memref<8x128xi32, #tpu.memory_space<vmem>> -> memref<1x128xi32, #tpu.memory_space<vmem>>
        %dma_wait3A_318 = tpu.memref_squeeze %dma_wait3A_317 : memref<1x128xi32, #tpu.memory_space<vmem>> -> memref<128xi32, #tpu.memory_space<vmem>>
        %dma_wait3A_319 = arith.constant 0 : i32
        %dma_wait3A_320 = arith.constant 0 : i32
        %dma_wait3A_321 = tpu.memref_slice %arg14[%dma_wait3A_319, %dma_wait3A_320] : memref<1024x128xf32, #tpu.memory_space<vmem_shared>> -> memref<1024x128xf32, #tpu.memory_space<vmem_shared>>
        tpu.wait_indirect_dma semaphore(%run_scoped3A_309 : memref<!tpu.dma_semaphore, #tpu.memory_space<semaphore_mem>>) src(%arg8 : memref<128x128xf32, #tpu.memory_space<vmem>>) dst(%dma_wait3A_321 : memref<1024x128xf32, #tpu.memory_space<vmem_shared>>)
        tpu.yield
      }) : () -> ()
      %add3A_57 = arith.constant 640 : i32
      %add3A_58 = arith.addi %mul3A_2, %add3A_57 : i32
      %dma_start3A_59 = arith.constant 0 : i32
      %dma_start3A_60 = tpu.memref_slice %arg3[%add3A_58, %dma_start3A_59] : memref<16384x128xf32, #tpu.memory_space<hbm>> -> memref<128x128xf32, #tpu.memory_space<hbm>>
      %dma_start3A_61 = arith.constant 0 : i32
      %dma_start3A_62 = tpu.memref_slice %arg3[%add3A_58, %dma_start3A_61] : memref<16384x128xf32, #tpu.memory_space<hbm>> -> memref<128x128xf32, #tpu.memory_space<hbm>>
      tpu.enqueue_dma source(%dma_start3A_62 : memref<128x128xf32, #tpu.memory_space<hbm>>) target(%arg8 : memref<128x128xf32, #tpu.memory_space<vmem>>) target_semaphore(%arg17 : memref<!tpu.dma_semaphore, #tpu.memory_space<semaphore_mem>>)
      %dma_wait3A_63 = arith.constant 0 : i32
      %dma_wait3A_64 = tpu.memref_slice %arg3[%add3A_47, %dma_wait3A_63] : memref<16384x128xf32, #tpu.memory_space<hbm>> -> memref<128x128xf32, #tpu.memory_space<hbm>>
      %dma_wait3A_65 = arith.constant 0 : i32
      %dma_wait3A_66 = tpu.memref_slice %arg3[%add3A_47, %dma_wait3A_65] : memref<16384x128xf32, #tpu.memory_space<hbm>> -> memref<128x128xf32, #tpu.memory_space<hbm>>
      tpu.wait_dma2 semaphore(%arg16 : memref<!tpu.dma_semaphore, #tpu.memory_space<semaphore_mem>>) src(%dma_wait3A_66 : memref<128x128xf32, #tpu.memory_space<hbm>>) dst(%arg7 : memref<128x128xf32, #tpu.memory_space<vmem>>)
      %run_scoped3A_67 = arith.constant 4 : i32
      "tpu.region"() ({
        %run_scoped3A_309 = tpu.sem_alloc : memref<!tpu.dma_semaphore, #tpu.memory_space<semaphore_mem>>
        %dma_start3A_310 = arith.constant 0 : i32
        %dma_start3A_311 = tpu.memref_slice %arg6[%run_scoped3A_67, %dma_start3A_310] : memref<8x128xi32, #tpu.memory_space<vmem>> -> memref<1x128xi32, #tpu.memory_space<vmem>>
        %dma_start3A_312 = tpu.memref_squeeze %dma_start3A_311 : memref<1x128xi32, #tpu.memory_space<vmem>> -> memref<128xi32, #tpu.memory_space<vmem>>
        %dma_start3A_313 = arith.constant 0 : i32
        %dma_start3A_314 = arith.constant 0 : i32
        %dma_start3A_315 = tpu.memref_slice %arg14[%dma_start3A_313, %dma_start3A_314] : memref<1024x128xf32, #tpu.memory_space<vmem_shared>> -> memref<1024x128xf32, #tpu.memory_space<vmem_shared>>
        tpu.enqueue_indirect_dma source(%arg7 : memref<128x128xf32, #tpu.memory_space<vmem>>) target(%dma_start3A_315 : memref<1024x128xf32, #tpu.memory_space<vmem_shared>>) offsets(%dma_start3A_312 : memref<128xi32, #tpu.memory_space<vmem>>) semaphore(%run_scoped3A_309 : memref<!tpu.dma_semaphore, #tpu.memory_space<semaphore_mem>>) {add = true}
        %dma_wait3A_316 = arith.constant 0 : i32
        %dma_wait3A_317 = tpu.memref_slice %arg6[%run_scoped3A_67, %dma_wait3A_316] : memref<8x128xi32, #tpu.memory_space<vmem>> -> memref<1x128xi32, #tpu.memory_space<vmem>>
        %dma_wait3A_318 = tpu.memref_squeeze %dma_wait3A_317 : memref<1x128xi32, #tpu.memory_space<vmem>> -> memref<128xi32, #tpu.memory_space<vmem>>
        %dma_wait3A_319 = arith.constant 0 : i32
        %dma_wait3A_320 = arith.constant 0 : i32
        %dma_wait3A_321 = tpu.memref_slice %arg14[%dma_wait3A_319, %dma_wait3A_320] : memref<1024x128xf32, #tpu.memory_space<vmem_shared>> -> memref<1024x128xf32, #tpu.memory_space<vmem_shared>>
        tpu.wait_indirect_dma semaphore(%run_scoped3A_309 : memref<!tpu.dma_semaphore, #tpu.memory_space<semaphore_mem>>) src(%arg7 : memref<128x128xf32, #tpu.memory_space<vmem>>) dst(%dma_wait3A_321 : memref<1024x128xf32, #tpu.memory_space<vmem_shared>>)
        tpu.yield
      }) : () -> ()
      %add3A_68 = arith.constant 768 : i32
      %add3A_69 = arith.addi %mul3A_2, %add3A_68 : i32
      %dma_start3A_70 = arith.constant 0 : i32
      %dma_start3A_71 = tpu.memref_slice %arg3[%add3A_69, %dma_start3A_70] : memref<16384x128xf32, #tpu.memory_space<hbm>> -> memref<128x128xf32, #tpu.memory_space<hbm>>
      %dma_start3A_72 = arith.constant 0 : i32
      %dma_start3A_73 = tpu.memref_slice %arg3[%add3A_69, %dma_start3A_72] : memref<16384x128xf32, #tpu.memory_space<hbm>> -> memref<128x128xf32, #tpu.memory_space<hbm>>
      tpu.enqueue_dma source(%dma_start3A_73 : memref<128x128xf32, #tpu.memory_space<hbm>>) target(%arg7 : memref<128x128xf32, #tpu.memory_space<vmem>>) target_semaphore(%arg16 : memref<!tpu.dma_semaphore, #tpu.memory_space<semaphore_mem>>)
      %dma_wait3A_74 = arith.constant 0 : i32
      %dma_wait3A_75 = tpu.memref_slice %arg3[%add3A_58, %dma_wait3A_74] : memref<16384x128xf32, #tpu.memory_space<hbm>> -> memref<128x128xf32, #tpu.memory_space<hbm>>
      %dma_wait3A_76 = arith.constant 0 : i32
      %dma_wait3A_77 = tpu.memref_slice %arg3[%add3A_58, %dma_wait3A_76] : memref<16384x128xf32, #tpu.memory_space<hbm>> -> memref<128x128xf32, #tpu.memory_space<hbm>>
      tpu.wait_dma2 semaphore(%arg17 : memref<!tpu.dma_semaphore, #tpu.memory_space<semaphore_mem>>) src(%dma_wait3A_77 : memref<128x128xf32, #tpu.memory_space<hbm>>) dst(%arg8 : memref<128x128xf32, #tpu.memory_space<vmem>>)
      %run_scoped3A_78 = arith.constant 5 : i32
      "tpu.region"() ({
        %run_scoped3A_309 = tpu.sem_alloc : memref<!tpu.dma_semaphore, #tpu.memory_space<semaphore_mem>>
        %dma_start3A_310 = arith.constant 0 : i32
        %dma_start3A_311 = tpu.memref_slice %arg6[%run_scoped3A_78, %dma_start3A_310] : memref<8x128xi32, #tpu.memory_space<vmem>> -> memref<1x128xi32, #tpu.memory_space<vmem>>
        %dma_start3A_312 = tpu.memref_squeeze %dma_start3A_311 : memref<1x128xi32, #tpu.memory_space<vmem>> -> memref<128xi32, #tpu.memory_space<vmem>>
        %dma_start3A_313 = arith.constant 0 : i32
        %dma_start3A_314 = arith.constant 0 : i32
        %dma_start3A_315 = tpu.memref_slice %arg14[%dma_start3A_313, %dma_start3A_314] : memref<1024x128xf32, #tpu.memory_space<vmem_shared>> -> memref<1024x128xf32, #tpu.memory_space<vmem_shared>>
        tpu.enqueue_indirect_dma source(%arg8 : memref<128x128xf32, #tpu.memory_space<vmem>>) target(%dma_start3A_315 : memref<1024x128xf32, #tpu.memory_space<vmem_shared>>) offsets(%dma_start3A_312 : memref<128xi32, #tpu.memory_space<vmem>>) semaphore(%run_scoped3A_309 : memref<!tpu.dma_semaphore, #tpu.memory_space<semaphore_mem>>) {add = true}
        %dma_wait3A_316 = arith.constant 0 : i32
        %dma_wait3A_317 = tpu.memref_slice %arg6[%run_scoped3A_78, %dma_wait3A_316] : memref<8x128xi32, #tpu.memory_space<vmem>> -> memref<1x128xi32, #tpu.memory_space<vmem>>
        %dma_wait3A_318 = tpu.memref_squeeze %dma_wait3A_317 : memref<1x128xi32, #tpu.memory_space<vmem>> -> memref<128xi32, #tpu.memory_space<vmem>>
        %dma_wait3A_319 = arith.constant 0 : i32
        %dma_wait3A_320 = arith.constant 0 : i32
        %dma_wait3A_321 = tpu.memref_slice %arg14[%dma_wait3A_319, %dma_wait3A_320] : memref<1024x128xf32, #tpu.memory_space<vmem_shared>> -> memref<1024x128xf32, #tpu.memory_space<vmem_shared>>
        tpu.wait_indirect_dma semaphore(%run_scoped3A_309 : memref<!tpu.dma_semaphore, #tpu.memory_space<semaphore_mem>>) src(%arg8 : memref<128x128xf32, #tpu.memory_space<vmem>>) dst(%dma_wait3A_321 : memref<1024x128xf32, #tpu.memory_space<vmem_shared>>)
        tpu.yield
      }) : () -> ()
      %add3A_79 = arith.constant 896 : i32
      %add3A_80 = arith.addi %mul3A_2, %add3A_79 : i32
      %dma_start3A_81 = arith.constant 0 : i32
      %dma_start3A_82 = tpu.memref_slice %arg3[%add3A_80, %dma_start3A_81] : memref<16384x128xf32, #tpu.memory_space<hbm>> -> memref<128x128xf32, #tpu.memory_space<hbm>>
      %dma_start3A_83 = arith.constant 0 : i32
      %dma_start3A_84 = tpu.memref_slice %arg3[%add3A_80, %dma_start3A_83] : memref<16384x128xf32, #tpu.memory_space<hbm>> -> memref<128x128xf32, #tpu.memory_space<hbm>>
      tpu.enqueue_dma source(%dma_start3A_84 : memref<128x128xf32, #tpu.memory_space<hbm>>) target(%arg8 : memref<128x128xf32, #tpu.memory_space<vmem>>) target_semaphore(%arg17 : memref<!tpu.dma_semaphore, #tpu.memory_space<semaphore_mem>>)
      %dma_wait3A_85 = arith.constant 0 : i32
      %dma_wait3A_86 = tpu.memref_slice %arg3[%add3A_69, %dma_wait3A_85] : memref<16384x128xf32, #tpu.memory_space<hbm>> -> memref<128x128xf32, #tpu.memory_space<hbm>>
      %dma_wait3A_87 = arith.constant 0 : i32
      %dma_wait3A_88 = tpu.memref_slice %arg3[%add3A_69, %dma_wait3A_87] : memref<16384x128xf32, #tpu.memory_space<hbm>> -> memref<128x128xf32, #tpu.memory_space<hbm>>
      tpu.wait_dma2 semaphore(%arg16 : memref<!tpu.dma_semaphore, #tpu.memory_space<semaphore_mem>>) src(%dma_wait3A_88 : memref<128x128xf32, #tpu.memory_space<hbm>>) dst(%arg7 : memref<128x128xf32, #tpu.memory_space<vmem>>)
      %run_scoped3A_89 = arith.constant 6 : i32
      "tpu.region"() ({
        %run_scoped3A_309 = tpu.sem_alloc : memref<!tpu.dma_semaphore, #tpu.memory_space<semaphore_mem>>
        %dma_start3A_310 = arith.constant 0 : i32
        %dma_start3A_311 = tpu.memref_slice %arg6[%run_scoped3A_89, %dma_start3A_310] : memref<8x128xi32, #tpu.memory_space<vmem>> -> memref<1x128xi32, #tpu.memory_space<vmem>>
        %dma_start3A_312 = tpu.memref_squeeze %dma_start3A_311 : memref<1x128xi32, #tpu.memory_space<vmem>> -> memref<128xi32, #tpu.memory_space<vmem>>
        %dma_start3A_313 = arith.constant 0 : i32
        %dma_start3A_314 = arith.constant 0 : i32
        %dma_start3A_315 = tpu.memref_slice %arg14[%dma_start3A_313, %dma_start3A_314] : memref<1024x128xf32, #tpu.memory_space<vmem_shared>> -> memref<1024x128xf32, #tpu.memory_space<vmem_shared>>
        tpu.enqueue_indirect_dma source(%arg7 : memref<128x128xf32, #tpu.memory_space<vmem>>) target(%dma_start3A_315 : memref<1024x128xf32, #tpu.memory_space<vmem_shared>>) offsets(%dma_start3A_312 : memref<128xi32, #tpu.memory_space<vmem>>) semaphore(%run_scoped3A_309 : memref<!tpu.dma_semaphore, #tpu.memory_space<semaphore_mem>>) {add = true}
        %dma_wait3A_316 = arith.constant 0 : i32
        %dma_wait3A_317 = tpu.memref_slice %arg6[%run_scoped3A_89, %dma_wait3A_316] : memref<8x128xi32, #tpu.memory_space<vmem>> -> memref<1x128xi32, #tpu.memory_space<vmem>>
        %dma_wait3A_318 = tpu.memref_squeeze %dma_wait3A_317 : memref<1x128xi32, #tpu.memory_space<vmem>> -> memref<128xi32, #tpu.memory_space<vmem>>
        %dma_wait3A_319 = arith.constant 0 : i32
        %dma_wait3A_320 = arith.constant 0 : i32
        %dma_wait3A_321 = tpu.memref_slice %arg14[%dma_wait3A_319, %dma_wait3A_320] : memref<1024x128xf32, #tpu.memory_space<vmem_shared>> -> memref<1024x128xf32, #tpu.memory_space<vmem_shared>>
        tpu.wait_indirect_dma semaphore(%run_scoped3A_309 : memref<!tpu.dma_semaphore, #tpu.memory_space<semaphore_mem>>) src(%arg7 : memref<128x128xf32, #tpu.memory_space<vmem>>) dst(%dma_wait3A_321 : memref<1024x128xf32, #tpu.memory_space<vmem_shared>>)
        tpu.yield
      }) : () -> ()
      %dma_wait3A_90 = arith.constant 0 : i32
      %dma_wait3A_91 = tpu.memref_slice %arg3[%add3A_80, %dma_wait3A_90] : memref<16384x128xf32, #tpu.memory_space<hbm>> -> memref<128x128xf32, #tpu.memory_space<hbm>>
      %dma_wait3A_92 = arith.constant 0 : i32
      %dma_wait3A_93 = tpu.memref_slice %arg3[%add3A_80, %dma_wait3A_92] : memref<16384x128xf32, #tpu.memory_space<hbm>> -> memref<128x128xf32, #tpu.memory_space<hbm>>
      tpu.wait_dma2 semaphore(%arg17 : memref<!tpu.dma_semaphore, #tpu.memory_space<semaphore_mem>>) src(%dma_wait3A_93 : memref<128x128xf32, #tpu.memory_space<hbm>>) dst(%arg8 : memref<128x128xf32, #tpu.memory_space<vmem>>)
      %run_scoped3A_94 = arith.constant 7 : i32
      "tpu.region"() ({
        %run_scoped3A_309 = tpu.sem_alloc : memref<!tpu.dma_semaphore, #tpu.memory_space<semaphore_mem>>
        %dma_start3A_310 = arith.constant 0 : i32
        %dma_start3A_311 = tpu.memref_slice %arg6[%run_scoped3A_94, %dma_start3A_310] : memref<8x128xi32, #tpu.memory_space<vmem>> -> memref<1x128xi32, #tpu.memory_space<vmem>>
        %dma_start3A_312 = tpu.memref_squeeze %dma_start3A_311 : memref<1x128xi32, #tpu.memory_space<vmem>> -> memref<128xi32, #tpu.memory_space<vmem>>
        %dma_start3A_313 = arith.constant 0 : i32
        %dma_start3A_314 = arith.constant 0 : i32
        %dma_start3A_315 = tpu.memref_slice %arg14[%dma_start3A_313, %dma_start3A_314] : memref<1024x128xf32, #tpu.memory_space<vmem_shared>> -> memref<1024x128xf32, #tpu.memory_space<vmem_shared>>
        tpu.enqueue_indirect_dma source(%arg8 : memref<128x128xf32, #tpu.memory_space<vmem>>) target(%dma_start3A_315 : memref<1024x128xf32, #tpu.memory_space<vmem_shared>>) offsets(%dma_start3A_312 : memref<128xi32, #tpu.memory_space<vmem>>) semaphore(%run_scoped3A_309 : memref<!tpu.dma_semaphore, #tpu.memory_space<semaphore_mem>>) {add = true}
        %dma_wait3A_316 = arith.constant 0 : i32
        %dma_wait3A_317 = tpu.memref_slice %arg6[%run_scoped3A_94, %dma_wait3A_316] : memref<8x128xi32, #tpu.memory_space<vmem>> -> memref<1x128xi32, #tpu.memory_space<vmem>>
        %dma_wait3A_318 = tpu.memref_squeeze %dma_wait3A_317 : memref<1x128xi32, #tpu.memory_space<vmem>> -> memref<128xi32, #tpu.memory_space<vmem>>
        %dma_wait3A_319 = arith.constant 0 : i32
        %dma_wait3A_320 = arith.constant 0 : i32
        %dma_wait3A_321 = tpu.memref_slice %arg14[%dma_wait3A_319, %dma_wait3A_320] : memref<1024x128xf32, #tpu.memory_space<vmem_shared>> -> memref<1024x128xf32, #tpu.memory_space<vmem_shared>>
        tpu.wait_indirect_dma semaphore(%run_scoped3A_309 : memref<!tpu.dma_semaphore, #tpu.memory_space<semaphore_mem>>) src(%arg8 : memref<128x128xf32, #tpu.memory_space<vmem>>) dst(%dma_wait3A_321 : memref<1024x128xf32, #tpu.memory_space<vmem_shared>>)
        tpu.yield
      }) : () -> ()
      %barrier3A_95 = arith.constant 0 : index
      tpu.barrier barrier_id(%barrier3A_95)
      "tpu.region"() ({
        %run_scoped3A_309 = tpu.sem_alloc : memref<!tpu.dma_semaphore, #tpu.memory_space<semaphore_mem>>
        %dma_start3A_310 = arith.constant 0 : i32
        %dma_start3A_311 = tpu.memref_slice %arg14[%mul3A_4, %dma_start3A_310] : memref<1024x128xf32, #tpu.memory_space<vmem_shared>> -> memref<64x128xf32, #tpu.memory_space<vmem_shared>>
        %dma_start3A_312 = arith.constant 0 : i32
        %dma_start3A_313 = tpu.memref_slice %arg14[%mul3A_4, %dma_start3A_312] : memref<1024x128xf32, #tpu.memory_space<vmem_shared>> -> memref<64x128xf32, #tpu.memory_space<vmem_shared>>
        tpu.enqueue_dma source(%dma_start3A_313 : memref<64x128xf32, #tpu.memory_space<vmem_shared>>) target(%arg11 : memref<64x128xf32, #tpu.memory_space<vmem>>) target_semaphore(%run_scoped3A_309 : memref<!tpu.dma_semaphore, #tpu.memory_space<semaphore_mem>>)
        %dma_wait3A_314 = arith.constant 0 : i32
        %dma_wait3A_315 = tpu.memref_slice %arg14[%mul3A_4, %dma_wait3A_314] : memref<1024x128xf32, #tpu.memory_space<vmem_shared>> -> memref<64x128xf32, #tpu.memory_space<vmem_shared>>
        %dma_wait3A_316 = arith.constant 0 : i32
        %dma_wait3A_317 = tpu.memref_slice %arg14[%mul3A_4, %dma_wait3A_316] : memref<1024x128xf32, #tpu.memory_space<vmem_shared>> -> memref<64x128xf32, #tpu.memory_space<vmem_shared>>
        tpu.wait_dma2 semaphore(%run_scoped3A_309 : memref<!tpu.dma_semaphore, #tpu.memory_space<semaphore_mem>>) src(%dma_wait3A_317 : memref<64x128xf32, #tpu.memory_space<vmem_shared>>) dst(%arg11 : memref<64x128xf32, #tpu.memory_space<vmem>>)
        tpu.yield
      }) : () -> ()
      "tpu.region"() ({
        %run_scoped3A_309 = tpu.sem_alloc : memref<!tpu.dma_semaphore, #tpu.memory_space<semaphore_mem>>
        %dma_start3A_310 = arith.constant 0 : i32
        %dma_start3A_311 = tpu.memref_slice %arg4[%mul3A_4, %dma_start3A_310] : memref<1024x32xf32, #tpu.memory_space<hbm>> -> memref<64x32xf32, #tpu.memory_space<hbm>>
        %dma_start3A_312 = arith.constant 0 : i32
        %dma_start3A_313 = tpu.memref_slice %arg4[%mul3A_4, %dma_start3A_312] : memref<1024x32xf32, #tpu.memory_space<hbm>> -> memref<64x32xf32, #tpu.memory_space<hbm>>
        tpu.enqueue_dma source(%dma_start3A_313 : memref<64x32xf32, #tpu.memory_space<hbm>>) target(%arg12 : memref<64x32xf32, #tpu.memory_space<vmem>>) target_semaphore(%run_scoped3A_309 : memref<!tpu.dma_semaphore, #tpu.memory_space<semaphore_mem>>)
        %dma_wait3A_314 = arith.constant 0 : i32
        %dma_wait3A_315 = tpu.memref_slice %arg4[%mul3A_4, %dma_wait3A_314] : memref<1024x32xf32, #tpu.memory_space<hbm>> -> memref<64x32xf32, #tpu.memory_space<hbm>>
        %dma_wait3A_316 = arith.constant 0 : i32
        %dma_wait3A_317 = tpu.memref_slice %arg4[%mul3A_4, %dma_wait3A_316] : memref<1024x32xf32, #tpu.memory_space<hbm>> -> memref<64x32xf32, #tpu.memory_space<hbm>>
        tpu.wait_dma2 semaphore(%run_scoped3A_309 : memref<!tpu.dma_semaphore, #tpu.memory_space<semaphore_mem>>) src(%dma_wait3A_317 : memref<64x32xf32, #tpu.memory_space<hbm>>) dst(%arg12 : memref<64x32xf32, #tpu.memory_space<vmem>>)
        tpu.yield
      }) : () -> ()
      %broadcast_in_dim3A = arith.constant 32 : i32
      %broadcast_in_dim3A_96 = vector.broadcast %broadcast_in_dim3A : i32 to vector<16xi32>
      %add3A_97 = arith.constant 0 : i32
      %add3A_98 = vector.broadcast %add3A_97 : i32 to vector<16xi32>
      %add3A_99 = arith.addi %add3A_98, %iota3A : vector<16xi32>
      %gather3A = tpu.vector_load_idx %arg11[%add3A_99, %broadcast_in_dim3A_96] : memref<64x128xf32, #tpu.memory_space<vmem>>[vector<16xi32>, vector<16xi32>], vector<16xf32>,
      %convert_element_type3A_100 = arith.fptosi %gather3A : vector<16xf32> to vector<16xi32>
      %mul3A_101 = arith.constant 1024 : i32
      %mul3A_102 = vector.broadcast %mul3A_101 : i32 to vector<16xi32>
      %mul3A_103 = arith.muli %convert_element_type3A_100, %mul3A_102 : vector<16xi32>
      %add3A_104 = vector.broadcast %mul3A_4 : i32 to vector<16xi32>
      %add3A_105 = arith.addi %mul3A_103, %add3A_104 : vector<16xi32>
      %add3A_106 = arith.constant 0 : i32
      %add3A_107 = vector.broadcast %add3A_106 : i32 to vector<16xi32>
      %add3A_108 = arith.addi %add3A_105, %add3A_107 : vector<16xi32>
      %add3A_109 = arith.addi %add3A_108, %iota3A : vector<16xi32>
      %swap3A = arith.constant 0 : index
      %swap3A_110 = tpu.vector_load %arg10[%swap3A] {strides = array<i32>} : memref<64xi32, #tpu.memory_space<vmem>>, vector<16xi32>,
      tpu.vector_store %arg10[%swap3A], %add3A_109 {strides = array<i32>} : memref<64xi32, #tpu.memory_space<vmem>>, vector<16xi32>,
      %add3A_111 = arith.constant 16 : i32
      %add3A_112 = vector.broadcast %add3A_111 : i32 to vector<16xi32>
      %add3A_113 = arith.addi %add3A_112, %iota3A : vector<16xi32>
      %gather3A_114 = tpu.vector_load_idx %arg11[%add3A_113, %broadcast_in_dim3A_96] : memref<64x128xf32, #tpu.memory_space<vmem>>[vector<16xi32>, vector<16xi32>], vector<16xf32>,
      %convert_element_type3A_115 = arith.fptosi %gather3A_114 : vector<16xf32> to vector<16xi32>
      %mul3A_116 = arith.constant 1024 : i32
      %mul3A_117 = vector.broadcast %mul3A_116 : i32 to vector<16xi32>
      %mul3A_118 = arith.muli %convert_element_type3A_115, %mul3A_117 : vector<16xi32>
      %add3A_119 = vector.broadcast %mul3A_4 : i32 to vector<16xi32>
      %add3A_120 = arith.addi %mul3A_118, %add3A_119 : vector<16xi32>
      %add3A_121 = arith.constant 16 : i32
      %add3A_122 = vector.broadcast %add3A_121 : i32 to vector<16xi32>
      %add3A_123 = arith.addi %add3A_120, %add3A_122 : vector<16xi32>
      %add3A_124 = arith.addi %add3A_123, %iota3A : vector<16xi32>
      %swap3A_125 = arith.constant 16 : index
      %swap3A_126 = tpu.vector_load %arg10[%swap3A_125] {strides = array<i32>} : memref<64xi32, #tpu.memory_space<vmem>>, vector<16xi32>,
      tpu.vector_store %arg10[%swap3A_125], %add3A_124 {strides = array<i32>} : memref<64xi32, #tpu.memory_space<vmem>>, vector<16xi32>,
      %add3A_127 = arith.constant 32 : i32
      %add3A_128 = vector.broadcast %add3A_127 : i32 to vector<16xi32>
      %add3A_129 = arith.addi %add3A_128, %iota3A : vector<16xi32>
      %gather3A_130 = tpu.vector_load_idx %arg11[%add3A_129, %broadcast_in_dim3A_96] : memref<64x128xf32, #tpu.memory_space<vmem>>[vector<16xi32>, vector<16xi32>], vector<16xf32>,
      %convert_element_type3A_131 = arith.fptosi %gather3A_130 : vector<16xf32> to vector<16xi32>
      %mul3A_132 = arith.constant 1024 : i32
      %mul3A_133 = vector.broadcast %mul3A_132 : i32 to vector<16xi32>
      %mul3A_134 = arith.muli %convert_element_type3A_131, %mul3A_133 : vector<16xi32>
      %add3A_135 = vector.broadcast %mul3A_4 : i32 to vector<16xi32>
      %add3A_136 = arith.addi %mul3A_134, %add3A_135 : vector<16xi32>
      %add3A_137 = arith.constant 32 : i32
      %add3A_138 = vector.broadcast %add3A_137 : i32 to vector<16xi32>
      %add3A_139 = arith.addi %add3A_136, %add3A_138 : vector<16xi32>
      %add3A_140 = arith.addi %add3A_139, %iota3A : vector<16xi32>
      %swap3A_141 = arith.constant 32 : index
      %swap3A_142 = tpu.vector_load %arg10[%swap3A_141] {strides = array<i32>} : memref<64xi32, #tpu.memory_space<vmem>>, vector<16xi32>,
      tpu.vector_store %arg10[%swap3A_141], %add3A_140 {strides = array<i32>} : memref<64xi32, #tpu.memory_space<vmem>>, vector<16xi32>,
      %add3A_143 = arith.constant 48 : i32
      %add3A_144 = vector.broadcast %add3A_143 : i32 to vector<16xi32>
      %add3A_145 = arith.addi %add3A_144, %iota3A : vector<16xi32>
      %gather3A_146 = tpu.vector_load_idx %arg11[%add3A_145, %broadcast_in_dim3A_96] : memref<64x128xf32, #tpu.memory_space<vmem>>[vector<16xi32>, vector<16xi32>], vector<16xf32>,
      %convert_element_type3A_147 = arith.fptosi %gather3A_146 : vector<16xf32> to vector<16xi32>
      %mul3A_148 = arith.constant 1024 : i32
      %mul3A_149 = vector.broadcast %mul3A_148 : i32 to vector<16xi32>
      %mul3A_150 = arith.muli %convert_element_type3A_147, %mul3A_149 : vector<16xi32>
      %add3A_151 = vector.broadcast %mul3A_4 : i32 to vector<16xi32>
      %add3A_152 = arith.addi %mul3A_150, %add3A_151 : vector<16xi32>
      %add3A_153 = arith.constant 48 : i32
      %add3A_154 = vector.broadcast %add3A_153 : i32 to vector<16xi32>
      %add3A_155 = arith.addi %add3A_152, %add3A_154 : vector<16xi32>
      %add3A_156 = arith.addi %add3A_155, %iota3A : vector<16xi32>
      %swap3A_157 = arith.constant 48 : index
      %swap3A_158 = tpu.vector_load %arg10[%swap3A_157] {strides = array<i32>} : memref<64xi32, #tpu.memory_space<vmem>>, vector<16xi32>,
      tpu.vector_store %arg10[%swap3A_157], %add3A_156 {strides = array<i32>} : memref<64xi32, #tpu.memory_space<vmem>>, vector<16xi32>,
      "tpu.region"() ({
        %run_scoped3A_309 = tpu.sem_alloc : memref<!tpu.dma_semaphore, #tpu.memory_space<semaphore_mem>>
        %dma_start3A_310 = tpu.memref_slice %arg15[%mul3A_4] : memref<1024xi32, #tpu.memory_space<vmem_shared>> -> memref<64xi32, #tpu.memory_space<vmem_shared>>
        %dma_start3A_311 = tpu.memref_slice %arg15[%mul3A_4] : memref<1024xi32, #tpu.memory_space<vmem_shared>> -> memref<64xi32, #tpu.memory_space<vmem_shared>>
        tpu.enqueue_dma source(%arg10 : memref<64xi32, #tpu.memory_space<vmem>>) target(%dma_start3A_311 : memref<64xi32, #tpu.memory_space<vmem_shared>>) target_semaphore(%run_scoped3A_309 : memref<!tpu.dma_semaphore, #tpu.memory_space<semaphore_mem>>)
        %dma_wait3A_312 = tpu.memref_slice %arg15[%mul3A_4] : memref<1024xi32, #tpu.memory_space<vmem_shared>> -> memref<64xi32, #tpu.memory_space<vmem_shared>>
        %dma_wait3A_313 = tpu.memref_slice %arg15[%mul3A_4] : memref<1024xi32, #tpu.memory_space<vmem_shared>> -> memref<64xi32, #tpu.memory_space<vmem_shared>>
        tpu.wait_dma2 semaphore(%run_scoped3A_309 : memref<!tpu.dma_semaphore, #tpu.memory_space<semaphore_mem>>) src(%arg10 : memref<64xi32, #tpu.memory_space<vmem>>) dst(%dma_wait3A_313 : memref<64xi32, #tpu.memory_space<vmem_shared>>)
        tpu.yield
      }) : () -> ()
      %barrier3A_159 = arith.constant 0 : index
      tpu.barrier barrier_id(%barrier3A_159)
      "tpu.region"() ({
        %run_scoped3A_309 = tpu.sem_alloc : memref<!tpu.dma_semaphore, #tpu.memory_space<semaphore_mem>>
        tpu.enqueue_dma source(%arg15 : memref<1024xi32, #tpu.memory_space<vmem_shared>>) target(%arg9 : memref<1024xi32, #tpu.memory_space<vmem>>) target_semaphore(%run_scoped3A_309 : memref<!tpu.dma_semaphore, #tpu.memory_space<semaphore_mem>>)
        tpu.wait_dma2 semaphore(%run_scoped3A_309 : memref<!tpu.dma_semaphore, #tpu.memory_space<semaphore_mem>>) src(%arg15 : memref<1024xi32, #tpu.memory_space<vmem_shared>>) dst(%arg9 : memref<1024xi32, #tpu.memory_space<vmem>>)
        tpu.yield
      }) : () -> ()
      %broadcast_in_dim3A_160 = arith.constant 0 : i32
      %broadcast_in_dim3A_161 = vector.broadcast %broadcast_in_dim3A_160 : i32 to vector<16xi32>
      %scan3A_162 = arith.constant 0 : i32
      %scan3A_163 = arith.constant 64 : i32
      %scan3A_164 = arith.addi %scan3A_162, %scan3A_163 : i32
      %scan3A_165 = arith.constant 1 : i32
      %scan3A_166 = scf.for %scan3A_309 = %scan3A_162 to %scan3A_164 step %scan3A_165 iter_args(%scan3A_310 = %broadcast_in_dim3A_161) -> (vector<16xi32>)  : i32 {
        %mul3A_311 = arith.constant 16 : i32
        %mul3A_312 = arith.muli %scan3A_309, %mul3A_311 : i32
        %get3A_313 = arith.index_cast %mul3A_312 : i32 to index
        %get3A_314 = tpu.vector_load %arg9[%get3A_313] {strides = array<i32>} : memref<1024xi32, #tpu.memory_space<vmem>>, vector<16xi32>,
        %lt3A = arith.constant 1024 : i32
        %lt3A_315 = vector.broadcast %lt3A : i32 to vector<16xi32>
        %lt3A_316 = arith.cmpi slt, %get3A_314, %lt3A_315 : vector<16xi32>
        %jit3A = arith.constant 1 : i32
        %jit3A_317 = arith.constant 0 : i32
        %broadcast_in_dim3A_318 = vector.broadcast %jit3A : i32 to vector<16xi32>
        %broadcast_in_dim3A_319 = vector.broadcast %jit3A_317 : i32 to vector<16xi32>
        %select_n3A_320 = arith.select %lt3A_316, %broadcast_in_dim3A_318, %broadcast_in_dim3A_319 : vector<16xi1>, vector<16xi32>
        %add3A_321 = arith.addi %scan3A_310, %select_n3A_320 : vector<16xi32>
        scf.yield %add3A_321 : vector<16xi32>
      }
      %scan3A_167 = arith.constant 64 : i32
      %reduce_sum3A = arith.constant true
      %reduce_sum3A_168 = vector.broadcast %reduce_sum3A : i1 to vector<16xi1>
      %reduce_sum3A_169 = tpu.scan <sum>, %scan3A_166 masked %reduce_sum3A_168 : vector<16xi32>, vector<16xi1> -> vector<16xi32>
      %reduce_sum3A_170 = vector.extract %reduce_sum3A_169[15] : i32 from vector<16xi32>
      %broadcast_in_dim3A_171 = vector.broadcast %reduce_sum3A_170 : i32 to vector<16xi32>
      %add3A_172 = arith.constant 0 : i32
      %add3A_173 = arith.addi %mul3A_4, %add3A_172 : i32
      %get3A = arith.index_cast %add3A_173 : i32 to index
      %get3A_174 = tpu.vector_load %arg9[%get3A] {strides = array<i32>} : memref<1024xi32, #tpu.memory_space<vmem>>, vector<16xi32>,
      %add3A_175 = arith.constant 16 : i32
      %add3A_176 = arith.addi %mul3A_4, %add3A_175 : i32
      %get3A_177 = arith.index_cast %add3A_176 : i32 to index
      %get3A_178 = tpu.vector_load %arg9[%get3A_177] {strides = array<i32>} : memref<1024xi32, #tpu.memory_space<vmem>>, vector<16xi32>,
      %add3A_179 = arith.constant 32 : i32
      %add3A_180 = arith.addi %mul3A_4, %add3A_179 : i32
      %get3A_181 = arith.index_cast %add3A_180 : i32 to index
      %get3A_182 = tpu.vector_load %arg9[%get3A_181] {strides = array<i32>} : memref<1024xi32, #tpu.memory_space<vmem>>, vector<16xi32>,
      %add3A_183 = arith.constant 48 : i32
      %add3A_184 = arith.addi %mul3A_4, %add3A_183 : i32
      %get3A_185 = arith.index_cast %add3A_184 : i32 to index
      %get3A_186 = tpu.vector_load %arg9[%get3A_185] {strides = array<i32>} : memref<1024xi32, #tpu.memory_space<vmem>>, vector<16xi32>,
      %broadcast_in_dim3A_187 = arith.constant 0 : i32
      %broadcast_in_dim3A_188 = vector.broadcast %broadcast_in_dim3A_187 : i32 to vector<16xi32>
      %broadcast_in_dim3A_189 = arith.constant 0 : i32
      %broadcast_in_dim3A_190 = vector.broadcast %broadcast_in_dim3A_189 : i32 to vector<16xi32>
      %broadcast_in_dim3A_191 = arith.constant 0 : i32
      %broadcast_in_dim3A_192 = vector.broadcast %broadcast_in_dim3A_191 : i32 to vector<16xi32>
      %broadcast_in_dim3A_193 = arith.constant 0 : i32
      %broadcast_in_dim3A_194 = vector.broadcast %broadcast_in_dim3A_193 : i32 to vector<16xi32>
      %scan3A_195 = arith.constant 0 : i32
      %scan3A_196 = arith.constant 256 : i32
      %scan3A_197 = arith.addi %scan3A_195, %scan3A_196 : i32
      %scan3A_198 = arith.constant 1 : i32
      %scan3A_199:4 = scf.for %scan3A_309 = %scan3A_195 to %scan3A_197 step %scan3A_198 iter_args(%scan3A_310 = %broadcast_in_dim3A_188, %scan3A_311 = %broadcast_in_dim3A_190, %scan3A_312 = %broadcast_in_dim3A_192, %scan3A_313 = %broadcast_in_dim3A_194) -> (vector<16xi32>, vector<16xi32>, vector<16xi32>, vector<16xi32>)  : i32 {
        %mul3A_314 = arith.constant 4 : i32
        %mul3A_315 = arith.muli %mul3A_314, %scan3A_309 : i32
        %add3A_316 = arith.constant 0 : i32
        %add3A_317 = arith.addi %mul3A_315, %add3A_316 : i32
        %broadcast_in_dim3A_318 = vector.broadcast %add3A_317 : i32 to vector<16xi32>
        %gather3A_319 = tpu.vector_load_idx %arg9[%broadcast_in_dim3A_318] : memref<1024xi32, #tpu.memory_space<vmem>>[vector<16xi32>], vector<16xi32>,
        %mul3A_320 = arith.constant 4 : i32
        %mul3A_321 = arith.muli %mul3A_320, %scan3A_309 : i32
        %add3A_322 = arith.constant 1 : i32
        %add3A_323 = arith.addi %mul3A_321, %add3A_322 : i32
        %broadcast_in_dim3A_324 = vector.broadcast %add3A_323 : i32 to vector<16xi32>
        %gather3A_325 = tpu.vector_load_idx %arg9[%broadcast_in_dim3A_324] : memref<1024xi32, #tpu.memory_space<vmem>>[vector<16xi32>], vector<16xi32>,
        %mul3A_326 = arith.constant 4 : i32
        %mul3A_327 = arith.muli %mul3A_326, %scan3A_309 : i32
        %add3A_328 = arith.constant 2 : i32
        %add3A_329 = arith.addi %mul3A_327, %add3A_328 : i32
        %broadcast_in_dim3A_330 = vector.broadcast %add3A_329 : i32 to vector<16xi32>
        %gather3A_331 = tpu.vector_load_idx %arg9[%broadcast_in_dim3A_330] : memref<1024xi32, #tpu.memory_space<vmem>>[vector<16xi32>], vector<16xi32>,
        %mul3A_332 = arith.constant 4 : i32
        %mul3A_333 = arith.muli %mul3A_332, %scan3A_309 : i32
        %add3A_334 = arith.constant 3 : i32
        %add3A_335 = arith.addi %mul3A_333, %add3A_334 : i32
        %broadcast_in_dim3A_336 = vector.broadcast %add3A_335 : i32 to vector<16xi32>
        %gather3A_337 = tpu.vector_load_idx %arg9[%broadcast_in_dim3A_336] : memref<1024xi32, #tpu.memory_space<vmem>>[vector<16xi32>], vector<16xi32>,
        %lt3A = arith.cmpi slt, %gather3A_319, %get3A_174 : vector<16xi32>
        %jit3A = arith.constant 1 : i32
        %jit3A_338 = arith.constant 0 : i32
        %broadcast_in_dim3A_339 = vector.broadcast %jit3A : i32 to vector<16xi32>
        %broadcast_in_dim3A_340 = vector.broadcast %jit3A_338 : i32 to vector<16xi32>
        %select_n3A_341 = arith.select %lt3A, %broadcast_in_dim3A_339, %broadcast_in_dim3A_340 : vector<16xi1>, vector<16xi32>
        %add3A_342 = arith.addi %scan3A_310, %select_n3A_341 : vector<16xi32>
        %lt3A_343 = arith.cmpi slt, %gather3A_325, %get3A_174 : vector<16xi32>
        %jit3A_344 = arith.constant 1 : i32
        %jit3A_345 = arith.constant 0 : i32
        %broadcast_in_dim3A_346 = vector.broadcast %jit3A_344 : i32 to vector<16xi32>
        %broadcast_in_dim3A_347 = vector.broadcast %jit3A_345 : i32 to vector<16xi32>
        %select_n3A_348 = arith.select %lt3A_343, %broadcast_in_dim3A_346, %broadcast_in_dim3A_347 : vector<16xi1>, vector<16xi32>
        %add3A_349 = arith.addi %add3A_342, %select_n3A_348 : vector<16xi32>
        %lt3A_350 = arith.cmpi slt, %gather3A_331, %get3A_174 : vector<16xi32>
        %jit3A_351 = arith.constant 1 : i32
        %jit3A_352 = arith.constant 0 : i32
        %broadcast_in_dim3A_353 = vector.broadcast %jit3A_351 : i32 to vector<16xi32>
        %broadcast_in_dim3A_354 = vector.broadcast %jit3A_352 : i32 to vector<16xi32>
        %select_n3A_355 = arith.select %lt3A_350, %broadcast_in_dim3A_353, %broadcast_in_dim3A_354 : vector<16xi1>, vector<16xi32>
        %add3A_356 = arith.addi %add3A_349, %select_n3A_355 : vector<16xi32>
        %lt3A_357 = arith.cmpi slt, %gather3A_337, %get3A_174 : vector<16xi32>
        %jit3A_358 = arith.constant 1 : i32
        %jit3A_359 = arith.constant 0 : i32
        %broadcast_in_dim3A_360 = vector.broadcast %jit3A_358 : i32 to vector<16xi32>
        %broadcast_in_dim3A_361 = vector.broadcast %jit3A_359 : i32 to vector<16xi32>
        %select_n3A_362 = arith.select %lt3A_357, %broadcast_in_dim3A_360, %broadcast_in_dim3A_361 : vector<16xi1>, vector<16xi32>
        %add3A_363 = arith.addi %add3A_356, %select_n3A_362 : vector<16xi32>
        %lt3A_364 = arith.cmpi slt, %gather3A_319, %get3A_178 : vector<16xi32>
        %jit3A_365 = arith.constant 1 : i32
        %jit3A_366 = arith.constant 0 : i32
        %broadcast_in_dim3A_367 = vector.broadcast %jit3A_365 : i32 to vector<16xi32>
        %broadcast_in_dim3A_368 = vector.broadcast %jit3A_366 : i32 to vector<16xi32>
        %select_n3A_369 = arith.select %lt3A_364, %broadcast_in_dim3A_367, %broadcast_in_dim3A_368 : vector<16xi1>, vector<16xi32>
        %add3A_370 = arith.addi %scan3A_311, %select_n3A_369 : vector<16xi32>
        %lt3A_371 = arith.cmpi slt, %gather3A_325, %get3A_178 : vector<16xi32>
        %jit3A_372 = arith.constant 1 : i32
        %jit3A_373 = arith.constant 0 : i32
        %broadcast_in_dim3A_374 = vector.broadcast %jit3A_372 : i32 to vector<16xi32>
        %broadcast_in_dim3A_375 = vector.broadcast %jit3A_373 : i32 to vector<16xi32>
        %select_n3A_376 = arith.select %lt3A_371, %broadcast_in_dim3A_374, %broadcast_in_dim3A_375 : vector<16xi1>, vector<16xi32>
        %add3A_377 = arith.addi %add3A_370, %select_n3A_376 : vector<16xi32>
        %lt3A_378 = arith.cmpi slt, %gather3A_331, %get3A_178 : vector<16xi32>
        %jit3A_379 = arith.constant 1 : i32
        %jit3A_380 = arith.constant 0 : i32
        %broadcast_in_dim3A_381 = vector.broadcast %jit3A_379 : i32 to vector<16xi32>
        %broadcast_in_dim3A_382 = vector.broadcast %jit3A_380 : i32 to vector<16xi32>
        %select_n3A_383 = arith.select %lt3A_378, %broadcast_in_dim3A_381, %broadcast_in_dim3A_382 : vector<16xi1>, vector<16xi32>
        %add3A_384 = arith.addi %add3A_377, %select_n3A_383 : vector<16xi32>
        %lt3A_385 = arith.cmpi slt, %gather3A_337, %get3A_178 : vector<16xi32>
        %jit3A_386 = arith.constant 1 : i32
        %jit3A_387 = arith.constant 0 : i32
        %broadcast_in_dim3A_388 = vector.broadcast %jit3A_386 : i32 to vector<16xi32>
        %broadcast_in_dim3A_389 = vector.broadcast %jit3A_387 : i32 to vector<16xi32>
        %select_n3A_390 = arith.select %lt3A_385, %broadcast_in_dim3A_388, %broadcast_in_dim3A_389 : vector<16xi1>, vector<16xi32>
        %add3A_391 = arith.addi %add3A_384, %select_n3A_390 : vector<16xi32>
        %lt3A_392 = arith.cmpi slt, %gather3A_319, %get3A_182 : vector<16xi32>
        %jit3A_393 = arith.constant 1 : i32
        %jit3A_394 = arith.constant 0 : i32
        %broadcast_in_dim3A_395 = vector.broadcast %jit3A_393 : i32 to vector<16xi32>
        %broadcast_in_dim3A_396 = vector.broadcast %jit3A_394 : i32 to vector<16xi32>
        %select_n3A_397 = arith.select %lt3A_392, %broadcast_in_dim3A_395, %broadcast_in_dim3A_396 : vector<16xi1>, vector<16xi32>
        %add3A_398 = arith.addi %scan3A_312, %select_n3A_397 : vector<16xi32>
        %lt3A_399 = arith.cmpi slt, %gather3A_325, %get3A_182 : vector<16xi32>
        %jit3A_400 = arith.constant 1 : i32
        %jit3A_401 = arith.constant 0 : i32
        %broadcast_in_dim3A_402 = vector.broadcast %jit3A_400 : i32 to vector<16xi32>
        %broadcast_in_dim3A_403 = vector.broadcast %jit3A_401 : i32 to vector<16xi32>
        %select_n3A_404 = arith.select %lt3A_399, %broadcast_in_dim3A_402, %broadcast_in_dim3A_403 : vector<16xi1>, vector<16xi32>
        %add3A_405 = arith.addi %add3A_398, %select_n3A_404 : vector<16xi32>
        %lt3A_406 = arith.cmpi slt, %gather3A_331, %get3A_182 : vector<16xi32>
        %jit3A_407 = arith.constant 1 : i32
        %jit3A_408 = arith.constant 0 : i32
        %broadcast_in_dim3A_409 = vector.broadcast %jit3A_407 : i32 to vector<16xi32>
        %broadcast_in_dim3A_410 = vector.broadcast %jit3A_408 : i32 to vector<16xi32>
        %select_n3A_411 = arith.select %lt3A_406, %broadcast_in_dim3A_409, %broadcast_in_dim3A_410 : vector<16xi1>, vector<16xi32>
        %add3A_412 = arith.addi %add3A_405, %select_n3A_411 : vector<16xi32>
        %lt3A_413 = arith.cmpi slt, %gather3A_337, %get3A_182 : vector<16xi32>
        %jit3A_414 = arith.constant 1 : i32
        %jit3A_415 = arith.constant 0 : i32
        %broadcast_in_dim3A_416 = vector.broadcast %jit3A_414 : i32 to vector<16xi32>
        %broadcast_in_dim3A_417 = vector.broadcast %jit3A_415 : i32 to vector<16xi32>
        %select_n3A_418 = arith.select %lt3A_413, %broadcast_in_dim3A_416, %broadcast_in_dim3A_417 : vector<16xi1>, vector<16xi32>
        %add3A_419 = arith.addi %add3A_412, %select_n3A_418 : vector<16xi32>
        %lt3A_420 = arith.cmpi slt, %gather3A_319, %get3A_186 : vector<16xi32>
        %jit3A_421 = arith.constant 1 : i32
        %jit3A_422 = arith.constant 0 : i32
        %broadcast_in_dim3A_423 = vector.broadcast %jit3A_421 : i32 to vector<16xi32>
        %broadcast_in_dim3A_424 = vector.broadcast %jit3A_422 : i32 to vector<16xi32>
        %select_n3A_425 = arith.select %lt3A_420, %broadcast_in_dim3A_423, %broadcast_in_dim3A_424 : vector<16xi1>, vector<16xi32>
        %add3A_426 = arith.addi %scan3A_313, %select_n3A_425 : vector<16xi32>
        %lt3A_427 = arith.cmpi slt, %gather3A_325, %get3A_186 : vector<16xi32>
        %jit3A_428 = arith.constant 1 : i32
        %jit3A_429 = arith.constant 0 : i32
        %broadcast_in_dim3A_430 = vector.broadcast %jit3A_428 : i32 to vector<16xi32>
        %broadcast_in_dim3A_431 = vector.broadcast %jit3A_429 : i32 to vector<16xi32>
        %select_n3A_432 = arith.select %lt3A_427, %broadcast_in_dim3A_430, %broadcast_in_dim3A_431 : vector<16xi1>, vector<16xi32>
        %add3A_433 = arith.addi %add3A_426, %select_n3A_432 : vector<16xi32>
        %lt3A_434 = arith.cmpi slt, %gather3A_331, %get3A_186 : vector<16xi32>
        %jit3A_435 = arith.constant 1 : i32
        %jit3A_436 = arith.constant 0 : i32
        %broadcast_in_dim3A_437 = vector.broadcast %jit3A_435 : i32 to vector<16xi32>
        %broadcast_in_dim3A_438 = vector.broadcast %jit3A_436 : i32 to vector<16xi32>
        %select_n3A_439 = arith.select %lt3A_434, %broadcast_in_dim3A_437, %broadcast_in_dim3A_438 : vector<16xi1>, vector<16xi32>
        %add3A_440 = arith.addi %add3A_433, %select_n3A_439 : vector<16xi32>
        %lt3A_441 = arith.cmpi slt, %gather3A_337, %get3A_186 : vector<16xi32>
        %jit3A_442 = arith.constant 1 : i32
        %jit3A_443 = arith.constant 0 : i32
        %broadcast_in_dim3A_444 = vector.broadcast %jit3A_442 : i32 to vector<16xi32>
        %broadcast_in_dim3A_445 = vector.broadcast %jit3A_443 : i32 to vector<16xi32>
        %select_n3A_446 = arith.select %lt3A_441, %broadcast_in_dim3A_444, %broadcast_in_dim3A_445 : vector<16xi1>, vector<16xi32>
        %add3A_447 = arith.addi %add3A_440, %select_n3A_446 : vector<16xi32>
        scf.yield %add3A_363, %add3A_391, %add3A_419, %add3A_447 : vector<16xi32>, vector<16xi32>, vector<16xi32>, vector<16xi32>
      }
      %scan3A_200 = arith.constant 256 : i32
      %add3A_201 = arith.constant 0 : i32
      %add3A_202 = arith.addi %mul3A_4, %add3A_201 : i32
      %add3A_203 = vector.broadcast %add3A_202 : i32 to vector<16xi32>
      %add3A_204 = arith.addi %add3A_203, %iota3A : vector<16xi32>
      %add3A_205 = arith.constant 0 : i32
      %add3A_206 = vector.broadcast %add3A_205 : i32 to vector<16xi32>
      %add3A_207 = arith.addi %add3A_206, %iota3A : vector<16xi32>
      %ge3A = arith.constant 1024 : i32
      %ge3A_208 = vector.broadcast %ge3A : i32 to vector<16xi32>
      %ge3A_209 = arith.cmpi sge, %get3A_174, %ge3A_208 : vector<16xi32>
      %sub3A = arith.subi %scan3A_199#0, %broadcast_in_dim3A_171 : vector<16xi32>
      %sub3A_210 = arith.constant 1024 : i32
      %sub3A_211 = vector.broadcast %sub3A_210 : i32 to vector<16xi32>
      %sub3A_212 = arith.subi %sub3A_211, %broadcast_in_dim3A_171 : vector<16xi32>
      %add3A_213 = arith.addi %sub3A_212, %scan3A_199#0 : vector<16xi32>
      %select_n3A = arith.select %ge3A_209, %sub3A, %add3A_213 : vector<16xi1>, vector<16xi32>
      %gt3A = arith.constant 0 : i32
      %gt3A_214 = vector.broadcast %gt3A : i32 to vector<16xi32>
      %gt3A_215 = arith.cmpi sgt, %broadcast_in_dim3A_171, %gt3A_214 : vector<16xi32>
      %select_n3A_216 = arith.select %gt3A_215, %select_n3A, %add3A_204 : vector<16xi1>, vector<16xi32>
      %gather3A_217 = tpu.vector_load_idx %arg11[%add3A_207, %broadcast_in_dim3A_96] : memref<64x128xf32, #tpu.memory_space<vmem>>[vector<16xi32>, vector<16xi32>], vector<16xf32>,
      %scan3A_218 = arith.constant 0 : i32
      %scan3A_219 = arith.constant 0 : i32
      %scan3A_220 = arith.constant 32 : i32
      %scan3A_221 = arith.addi %scan3A_219, %scan3A_220 : i32
      %scan3A_222 = arith.constant 1 : i32
      %scan3A_223 = scf.for %scan3A_309 = %scan3A_219 to %scan3A_221 step %scan3A_222 iter_args(%scan3A_310 = %scan3A_218) -> (i32)  : i32 {
        %broadcast_in_dim3A_311 = vector.broadcast %scan3A_309 : i32 to vector<16xi32>
        %gather3A_312 = tpu.vector_load_idx %arg11[%add3A_207, %broadcast_in_dim3A_311] : memref<64x128xf32, #tpu.memory_space<vmem>>[vector<16xi32>, vector<16xi32>], vector<16xf32>,
        %gather3A_313 = tpu.vector_load_idx %arg12[%add3A_207, %broadcast_in_dim3A_311] : memref<64x32xf32, #tpu.memory_space<vmem>>[vector<16xi32>, vector<16xi32>], vector<16xf32>,
        %gt3A_314 = arith.constant 0.000000e+00 : f32
        %gt3A_315 = vector.broadcast %gt3A_314 : f32 to vector<16xf32>
        %gt3A_316 = arith.cmpf ogt, %gather3A_217, %gt3A_315 : vector<16xf32>
        %max3A = arith.constant 1.000000e+00 : f32
        %max3A_317 = vector.broadcast %max3A : f32 to vector<16xf32>
        %max3A_318 = arith.maximumf %gather3A_217, %max3A_317 : vector<16xf32>
        %div3A = arith.divf %gather3A_312, %max3A_318 : vector<16xf32>
        %select_n3A_319 = arith.select %gt3A_316, %div3A, %gather3A_313 : vector<16xi1>, vector<16xf32>
        tpu.vector_store_idx %arg13[%add3A_207, %broadcast_in_dim3A_311], %select_n3A_319 : memref<64x128xf32, #tpu.memory_space<vmem>>[vector<16xi32>, vector<16xi32>], vector<16xf32>,
        %scan3A_320 = arith.constant 0 : i32
        scf.yield %scan3A_320 : i32
      }
      %scan3A_224 = arith.constant 32 : i32
      "tpu.region"() ({
        %run_scoped3A_309 = tpu.sem_alloc : memref<!tpu.dma_semaphore, #tpu.memory_space<semaphore_mem>>
        %dma_start3A_310 = arith.constant 0 : i32
        %dma_start3A_311 = arith.constant 0 : i32
        %dma_start3A_312 = tpu.memref_slice %arg13[%dma_start3A_310, %dma_start3A_311] : memref<64x128xf32, #tpu.memory_space<vmem>> -> memref<16x128xf32, #tpu.memory_space<vmem>>
        %dma_start3A_313 = arith.constant 0 : i32
        %dma_start3A_314 = arith.constant 0 : i32
        %dma_start3A_315 = tpu.memref_slice %arg5[%dma_start3A_313, %dma_start3A_314] : memref<1024x128xf32, #tpu.memory_space<hbm>> -> memref<1024x128xf32, #tpu.memory_space<hbm>>
        tpu.enqueue_indirect_dma source(%dma_start3A_312 : memref<16x128xf32, #tpu.memory_space<vmem>>) target(%dma_start3A_315 : memref<1024x128xf32, #tpu.memory_space<hbm>>) offsets(%select_n3A_216 : vector<16xi32>) semaphore(%run_scoped3A_309 : memref<!tpu.dma_semaphore, #tpu.memory_space<semaphore_mem>>)
        %dma_wait3A_316 = arith.constant 0 : i32
        %dma_wait3A_317 = arith.constant 0 : i32
        %dma_wait3A_318 = tpu.memref_slice %arg13[%dma_wait3A_316, %dma_wait3A_317] : memref<64x128xf32, #tpu.memory_space<vmem>> -> memref<16x128xf32, #tpu.memory_space<vmem>>
        %dma_wait3A_319 = arith.constant 0 : i32
        %dma_wait3A_320 = arith.constant 0 : i32
        %dma_wait3A_321 = tpu.memref_slice %arg5[%dma_wait3A_319, %dma_wait3A_320] : memref<1024x128xf32, #tpu.memory_space<hbm>> -> memref<1024x128xf32, #tpu.memory_space<hbm>>
        tpu.wait_indirect_dma semaphore(%run_scoped3A_309 : memref<!tpu.dma_semaphore, #tpu.memory_space<semaphore_mem>>) src(%dma_wait3A_318 : memref<16x128xf32, #tpu.memory_space<vmem>>) dst(%dma_wait3A_321 : memref<1024x128xf32, #tpu.memory_space<hbm>>)
        tpu.yield
      }) : () -> ()
      %add3A_225 = arith.constant 16 : i32
      %add3A_226 = arith.addi %mul3A_4, %add3A_225 : i32
      %add3A_227 = vector.broadcast %add3A_226 : i32 to vector<16xi32>
      %add3A_228 = arith.addi %add3A_227, %iota3A : vector<16xi32>
      %add3A_229 = arith.constant 16 : i32
      %add3A_230 = vector.broadcast %add3A_229 : i32 to vector<16xi32>
      %add3A_231 = arith.addi %add3A_230, %iota3A : vector<16xi32>
      %ge3A_232 = arith.constant 1024 : i32
      %ge3A_233 = vector.broadcast %ge3A_232 : i32 to vector<16xi32>
      %ge3A_234 = arith.cmpi sge, %get3A_178, %ge3A_233 : vector<16xi32>
      %sub3A_235 = arith.subi %scan3A_199#1, %broadcast_in_dim3A_171 : vector<16xi32>
      %sub3A_236 = arith.constant 1024 : i32
      %sub3A_237 = vector.broadcast %sub3A_236 : i32 to vector<16xi32>
      %sub3A_238 = arith.subi %sub3A_237, %broadcast_in_dim3A_171 : vector<16xi32>
      %add3A_239 = arith.addi %sub3A_238, %scan3A_199#1 : vector<16xi32>
      %select_n3A_240 = arith.select %ge3A_234, %sub3A_235, %add3A_239 : vector<16xi1>, vector<16xi32>
      %gt3A_241 = arith.constant 0 : i32
      %gt3A_242 = vector.broadcast %gt3A_241 : i32 to vector<16xi32>
      %gt3A_243 = arith.cmpi sgt, %broadcast_in_dim3A_171, %gt3A_242 : vector<16xi32>
      %select_n3A_244 = arith.select %gt3A_243, %select_n3A_240, %add3A_228 : vector<16xi1>, vector<16xi32>
      %gather3A_245 = tpu.vector_load_idx %arg11[%add3A_231, %broadcast_in_dim3A_96] : memref<64x128xf32, #tpu.memory_space<vmem>>[vector<16xi32>, vector<16xi32>], vector<16xf32>,
      %scan3A_246 = arith.constant 0 : i32
      %scan3A_247 = arith.constant 0 : i32
      %scan3A_248 = arith.constant 32 : i32
      %scan3A_249 = arith.addi %scan3A_247, %scan3A_248 : i32
      %scan3A_250 = arith.constant 1 : i32
      %scan3A_251 = scf.for %scan3A_309 = %scan3A_247 to %scan3A_249 step %scan3A_250 iter_args(%scan3A_310 = %scan3A_246) -> (i32)  : i32 {
        %broadcast_in_dim3A_311 = vector.broadcast %scan3A_309 : i32 to vector<16xi32>
        %gather3A_312 = tpu.vector_load_idx %arg11[%add3A_231, %broadcast_in_dim3A_311] : memref<64x128xf32, #tpu.memory_space<vmem>>[vector<16xi32>, vector<16xi32>], vector<16xf32>,
        %gather3A_313 = tpu.vector_load_idx %arg12[%add3A_231, %broadcast_in_dim3A_311] : memref<64x32xf32, #tpu.memory_space<vmem>>[vector<16xi32>, vector<16xi32>], vector<16xf32>,
        %gt3A_314 = arith.constant 0.000000e+00 : f32
        %gt3A_315 = vector.broadcast %gt3A_314 : f32 to vector<16xf32>
        %gt3A_316 = arith.cmpf ogt, %gather3A_245, %gt3A_315 : vector<16xf32>
        %max3A = arith.constant 1.000000e+00 : f32
        %max3A_317 = vector.broadcast %max3A : f32 to vector<16xf32>
        %max3A_318 = arith.maximumf %gather3A_245, %max3A_317 : vector<16xf32>
        %div3A = arith.divf %gather3A_312, %max3A_318 : vector<16xf32>
        %select_n3A_319 = arith.select %gt3A_316, %div3A, %gather3A_313 : vector<16xi1>, vector<16xf32>
        tpu.vector_store_idx %arg13[%add3A_231, %broadcast_in_dim3A_311], %select_n3A_319 : memref<64x128xf32, #tpu.memory_space<vmem>>[vector<16xi32>, vector<16xi32>], vector<16xf32>,
        %scan3A_320 = arith.constant 0 : i32
        scf.yield %scan3A_320 : i32
      }
      %scan3A_252 = arith.constant 32 : i32
      "tpu.region"() ({
        %run_scoped3A_309 = tpu.sem_alloc : memref<!tpu.dma_semaphore, #tpu.memory_space<semaphore_mem>>
        %dma_start3A_310 = arith.constant 16 : i32
        %dma_start3A_311 = arith.constant 0 : i32
        %dma_start3A_312 = tpu.memref_slice %arg13[%dma_start3A_310, %dma_start3A_311] : memref<64x128xf32, #tpu.memory_space<vmem>> -> memref<16x128xf32, #tpu.memory_space<vmem>>
        %dma_start3A_313 = arith.constant 0 : i32
        %dma_start3A_314 = arith.constant 0 : i32
        %dma_start3A_315 = tpu.memref_slice %arg5[%dma_start3A_313, %dma_start3A_314] : memref<1024x128xf32, #tpu.memory_space<hbm>> -> memref<1024x128xf32, #tpu.memory_space<hbm>>
        tpu.enqueue_indirect_dma source(%dma_start3A_312 : memref<16x128xf32, #tpu.memory_space<vmem>>) target(%dma_start3A_315 : memref<1024x128xf32, #tpu.memory_space<hbm>>) offsets(%select_n3A_244 : vector<16xi32>) semaphore(%run_scoped3A_309 : memref<!tpu.dma_semaphore, #tpu.memory_space<semaphore_mem>>)
        %dma_wait3A_316 = arith.constant 16 : i32
        %dma_wait3A_317 = arith.constant 0 : i32
        %dma_wait3A_318 = tpu.memref_slice %arg13[%dma_wait3A_316, %dma_wait3A_317] : memref<64x128xf32, #tpu.memory_space<vmem>> -> memref<16x128xf32, #tpu.memory_space<vmem>>
        %dma_wait3A_319 = arith.constant 0 : i32
        %dma_wait3A_320 = arith.constant 0 : i32
        %dma_wait3A_321 = tpu.memref_slice %arg5[%dma_wait3A_319, %dma_wait3A_320] : memref<1024x128xf32, #tpu.memory_space<hbm>> -> memref<1024x128xf32, #tpu.memory_space<hbm>>
        tpu.wait_indirect_dma semaphore(%run_scoped3A_309 : memref<!tpu.dma_semaphore, #tpu.memory_space<semaphore_mem>>) src(%dma_wait3A_318 : memref<16x128xf32, #tpu.memory_space<vmem>>) dst(%dma_wait3A_321 : memref<1024x128xf32, #tpu.memory_space<hbm>>)
        tpu.yield
      }) : () -> ()
      %add3A_253 = arith.constant 32 : i32
      %add3A_254 = arith.addi %mul3A_4, %add3A_253 : i32
      %add3A_255 = vector.broadcast %add3A_254 : i32 to vector<16xi32>
      %add3A_256 = arith.addi %add3A_255, %iota3A : vector<16xi32>
      %add3A_257 = arith.constant 32 : i32
      %add3A_258 = vector.broadcast %add3A_257 : i32 to vector<16xi32>
      %add3A_259 = arith.addi %add3A_258, %iota3A : vector<16xi32>
      %ge3A_260 = arith.constant 1024 : i32
      %ge3A_261 = vector.broadcast %ge3A_260 : i32 to vector<16xi32>
      %ge3A_262 = arith.cmpi sge, %get3A_182, %ge3A_261 : vector<16xi32>
      %sub3A_263 = arith.subi %scan3A_199#2, %broadcast_in_dim3A_171 : vector<16xi32>
      %sub3A_264 = arith.constant 1024 : i32
      %sub3A_265 = vector.broadcast %sub3A_264 : i32 to vector<16xi32>
      %sub3A_266 = arith.subi %sub3A_265, %broadcast_in_dim3A_171 : vector<16xi32>
      %add3A_267 = arith.addi %sub3A_266, %scan3A_199#2 : vector<16xi32>
      %select_n3A_268 = arith.select %ge3A_262, %sub3A_263, %add3A_267 : vector<16xi1>, vector<16xi32>
      %gt3A_269 = arith.constant 0 : i32
      %gt3A_270 = vector.broadcast %gt3A_269 : i32 to vector<16xi32>
      %gt3A_271 = arith.cmpi sgt, %broadcast_in_dim3A_171, %gt3A_270 : vector<16xi32>
      %select_n3A_272 = arith.select %gt3A_271, %select_n3A_268, %add3A_256 : vector<16xi1>, vector<16xi32>
      %gather3A_273 = tpu.vector_load_idx %arg11[%add3A_259, %broadcast_in_dim3A_96] : memref<64x128xf32, #tpu.memory_space<vmem>>[vector<16xi32>, vector<16xi32>], vector<16xf32>,
      %scan3A_274 = arith.constant 0 : i32
      %scan3A_275 = arith.constant 0 : i32
      %scan3A_276 = arith.constant 32 : i32
      %scan3A_277 = arith.addi %scan3A_275, %scan3A_276 : i32
      %scan3A_278 = arith.constant 1 : i32
      %scan3A_279 = scf.for %scan3A_309 = %scan3A_275 to %scan3A_277 step %scan3A_278 iter_args(%scan3A_310 = %scan3A_274) -> (i32)  : i32 {
        %broadcast_in_dim3A_311 = vector.broadcast %scan3A_309 : i32 to vector<16xi32>
        %gather3A_312 = tpu.vector_load_idx %arg11[%add3A_259, %broadcast_in_dim3A_311] : memref<64x128xf32, #tpu.memory_space<vmem>>[vector<16xi32>, vector<16xi32>], vector<16xf32>,
        %gather3A_313 = tpu.vector_load_idx %arg12[%add3A_259, %broadcast_in_dim3A_311] : memref<64x32xf32, #tpu.memory_space<vmem>>[vector<16xi32>, vector<16xi32>], vector<16xf32>,
        %gt3A_314 = arith.constant 0.000000e+00 : f32
        %gt3A_315 = vector.broadcast %gt3A_314 : f32 to vector<16xf32>
        %gt3A_316 = arith.cmpf ogt, %gather3A_273, %gt3A_315 : vector<16xf32>
        %max3A = arith.constant 1.000000e+00 : f32
        %max3A_317 = vector.broadcast %max3A : f32 to vector<16xf32>
        %max3A_318 = arith.maximumf %gather3A_273, %max3A_317 : vector<16xf32>
        %div3A = arith.divf %gather3A_312, %max3A_318 : vector<16xf32>
        %select_n3A_319 = arith.select %gt3A_316, %div3A, %gather3A_313 : vector<16xi1>, vector<16xf32>
        tpu.vector_store_idx %arg13[%add3A_259, %broadcast_in_dim3A_311], %select_n3A_319 : memref<64x128xf32, #tpu.memory_space<vmem>>[vector<16xi32>, vector<16xi32>], vector<16xf32>,
        %scan3A_320 = arith.constant 0 : i32
        scf.yield %scan3A_320 : i32
      }
      %scan3A_280 = arith.constant 32 : i32
      "tpu.region"() ({
        %run_scoped3A_309 = tpu.sem_alloc : memref<!tpu.dma_semaphore, #tpu.memory_space<semaphore_mem>>
        %dma_start3A_310 = arith.constant 32 : i32
        %dma_start3A_311 = arith.constant 0 : i32
        %dma_start3A_312 = tpu.memref_slice %arg13[%dma_start3A_310, %dma_start3A_311] : memref<64x128xf32, #tpu.memory_space<vmem>> -> memref<16x128xf32, #tpu.memory_space<vmem>>
        %dma_start3A_313 = arith.constant 0 : i32
        %dma_start3A_314 = arith.constant 0 : i32
        %dma_start3A_315 = tpu.memref_slice %arg5[%dma_start3A_313, %dma_start3A_314] : memref<1024x128xf32, #tpu.memory_space<hbm>> -> memref<1024x128xf32, #tpu.memory_space<hbm>>
        tpu.enqueue_indirect_dma source(%dma_start3A_312 : memref<16x128xf32, #tpu.memory_space<vmem>>) target(%dma_start3A_315 : memref<1024x128xf32, #tpu.memory_space<hbm>>) offsets(%select_n3A_272 : vector<16xi32>) semaphore(%run_scoped3A_309 : memref<!tpu.dma_semaphore, #tpu.memory_space<semaphore_mem>>)
        %dma_wait3A_316 = arith.constant 32 : i32
        %dma_wait3A_317 = arith.constant 0 : i32
        %dma_wait3A_318 = tpu.memref_slice %arg13[%dma_wait3A_316, %dma_wait3A_317] : memref<64x128xf32, #tpu.memory_space<vmem>> -> memref<16x128xf32, #tpu.memory_space<vmem>>
        %dma_wait3A_319 = arith.constant 0 : i32
        %dma_wait3A_320 = arith.constant 0 : i32
        %dma_wait3A_321 = tpu.memref_slice %arg5[%dma_wait3A_319, %dma_wait3A_320] : memref<1024x128xf32, #tpu.memory_space<hbm>> -> memref<1024x128xf32, #tpu.memory_space<hbm>>
        tpu.wait_indirect_dma semaphore(%run_scoped3A_309 : memref<!tpu.dma_semaphore, #tpu.memory_space<semaphore_mem>>) src(%dma_wait3A_318 : memref<16x128xf32, #tpu.memory_space<vmem>>) dst(%dma_wait3A_321 : memref<1024x128xf32, #tpu.memory_space<hbm>>)
        tpu.yield
      }) : () -> ()
      %add3A_281 = arith.constant 48 : i32
      %add3A_282 = arith.addi %mul3A_4, %add3A_281 : i32
      %add3A_283 = vector.broadcast %add3A_282 : i32 to vector<16xi32>
      %add3A_284 = arith.addi %add3A_283, %iota3A : vector<16xi32>
      %add3A_285 = arith.constant 48 : i32
      %add3A_286 = vector.broadcast %add3A_285 : i32 to vector<16xi32>
      %add3A_287 = arith.addi %add3A_286, %iota3A : vector<16xi32>
      %ge3A_288 = arith.constant 1024 : i32
      %ge3A_289 = vector.broadcast %ge3A_288 : i32 to vector<16xi32>
      %ge3A_290 = arith.cmpi sge, %get3A_186, %ge3A_289 : vector<16xi32>
      %sub3A_291 = arith.subi %scan3A_199#3, %broadcast_in_dim3A_171 : vector<16xi32>
      %sub3A_292 = arith.constant 1024 : i32
      %sub3A_293 = vector.broadcast %sub3A_292 : i32 to vector<16xi32>
      %sub3A_294 = arith.subi %sub3A_293, %broadcast_in_dim3A_171 : vector<16xi32>
      %add3A_295 = arith.addi %sub3A_294, %scan3A_199#3 : vector<16xi32>
      %select_n3A_296 = arith.select %ge3A_290, %sub3A_291, %add3A_295 : vector<16xi1>, vector<16xi32>
      %gt3A_297 = arith.constant 0 : i32
      %gt3A_298 = vector.broadcast %gt3A_297 : i32 to vector<16xi32>
      %gt3A_299 = arith.cmpi sgt, %broadcast_in_dim3A_171, %gt3A_298 : vector<16xi32>
      %select_n3A_300 = arith.select %gt3A_299, %select_n3A_296, %add3A_284 : vector<16xi1>, vector<16xi32>
      %gather3A_301 = tpu.vector_load_idx %arg11[%add3A_287, %broadcast_in_dim3A_96] : memref<64x128xf32, #tpu.memory_space<vmem>>[vector<16xi32>, vector<16xi32>], vector<16xf32>,
      %scan3A_302 = arith.constant 0 : i32
      %scan3A_303 = arith.constant 0 : i32
      %scan3A_304 = arith.constant 32 : i32
      %scan3A_305 = arith.addi %scan3A_303, %scan3A_304 : i32
      %scan3A_306 = arith.constant 1 : i32
      %scan3A_307 = scf.for %scan3A_309 = %scan3A_303 to %scan3A_305 step %scan3A_306 iter_args(%scan3A_310 = %scan3A_302) -> (i32)  : i32 {
        %broadcast_in_dim3A_311 = vector.broadcast %scan3A_309 : i32 to vector<16xi32>
        %gather3A_312 = tpu.vector_load_idx %arg11[%add3A_287, %broadcast_in_dim3A_311] : memref<64x128xf32, #tpu.memory_space<vmem>>[vector<16xi32>, vector<16xi32>], vector<16xf32>,
        %gather3A_313 = tpu.vector_load_idx %arg12[%add3A_287, %broadcast_in_dim3A_311] : memref<64x32xf32, #tpu.memory_space<vmem>>[vector<16xi32>, vector<16xi32>], vector<16xf32>,
        %gt3A_314 = arith.constant 0.000000e+00 : f32
        %gt3A_315 = vector.broadcast %gt3A_314 : f32 to vector<16xf32>
        %gt3A_316 = arith.cmpf ogt, %gather3A_301, %gt3A_315 : vector<16xf32>
        %max3A = arith.constant 1.000000e+00 : f32
        %max3A_317 = vector.broadcast %max3A : f32 to vector<16xf32>
        %max3A_318 = arith.maximumf %gather3A_301, %max3A_317 : vector<16xf32>
        %div3A = arith.divf %gather3A_312, %max3A_318 : vector<16xf32>
        %select_n3A_319 = arith.select %gt3A_316, %div3A, %gather3A_313 : vector<16xi1>, vector<16xf32>
        tpu.vector_store_idx %arg13[%add3A_287, %broadcast_in_dim3A_311], %select_n3A_319 : memref<64x128xf32, #tpu.memory_space<vmem>>[vector<16xi32>, vector<16xi32>], vector<16xf32>,
        %scan3A_320 = arith.constant 0 : i32
        scf.yield %scan3A_320 : i32
      }
      %scan3A_308 = arith.constant 32 : i32
      "tpu.region"() ({
        %run_scoped3A_309 = tpu.sem_alloc : memref<!tpu.dma_semaphore, #tpu.memory_space<semaphore_mem>>
        %dma_start3A_310 = arith.constant 48 : i32
        %dma_start3A_311 = arith.constant 0 : i32
        %dma_start3A_312 = tpu.memref_slice %arg13[%dma_start3A_310, %dma_start3A_311] : memref<64x128xf32, #tpu.memory_space<vmem>> -> memref<16x128xf32, #tpu.memory_space<vmem>>
        %dma_start3A_313 = arith.constant 0 : i32
        %dma_start3A_314 = arith.constant 0 : i32
        %dma_start3A_315 = tpu.memref_slice %arg5[%dma_start3A_313, %dma_start3A_314] : memref<1024x128xf32, #tpu.memory_space<hbm>> -> memref<1024x128xf32, #tpu.memory_space<hbm>>
        tpu.enqueue_indirect_dma source(%dma_start3A_312 : memref<16x128xf32, #tpu.memory_space<vmem>>) target(%dma_start3A_315 : memref<1024x128xf32, #tpu.memory_space<hbm>>) offsets(%select_n3A_300 : vector<16xi32>) semaphore(%run_scoped3A_309 : memref<!tpu.dma_semaphore, #tpu.memory_space<semaphore_mem>>)
        %dma_wait3A_316 = arith.constant 48 : i32
        %dma_wait3A_317 = arith.constant 0 : i32
        %dma_wait3A_318 = tpu.memref_slice %arg13[%dma_wait3A_316, %dma_wait3A_317] : memref<64x128xf32, #tpu.memory_space<vmem>> -> memref<16x128xf32, #tpu.memory_space<vmem>>
        %dma_wait3A_319 = arith.constant 0 : i32
        %dma_wait3A_320 = arith.constant 0 : i32
        %dma_wait3A_321 = tpu.memref_slice %arg5[%dma_wait3A_319, %dma_wait3A_320] : memref<1024x128xf32, #tpu.memory_space<hbm>> -> memref<1024x128xf32, #tpu.memory_space<hbm>>
        tpu.wait_indirect_dma semaphore(%run_scoped3A_309 : memref<!tpu.dma_semaphore, #tpu.memory_space<semaphore_mem>>) src(%dma_wait3A_318 : memref<16x128xf32, #tpu.memory_space<vmem>>) dst(%dma_wait3A_321 : memref<1024x128xf32, #tpu.memory_space<hbm>>)
        tpu.yield
      }) : () -> ()
    } else {
    }
    return
  }
}

module attributes {stable_mosaic.version = 14 : i64} {
  func.func @_tc_body(%arg0: i32, %arg1: memref<2048x32xf32, #tpu.memory_space<vmem>>, %arg2: memref<1024x32xf32, #tpu.memory_space<vmem>>, %arg3: memref<1x2048xi32, #tpu.memory_space<vmem>>, %arg4: memref<2048x128xf32, #tpu.memory_space<vmem>>, %arg5: memref<1024x1xf32, #tpu.memory_space<vmem>>) attributes {dimension_semantics = [#tpu.dimension_semantics<arbitrary>], iteration_bounds = array<i64: 8>, scalar_prefetch = 0 : i64, scratch_operands = 1 : i64, tpu.core_type = #tpu.core_type<tc>, window_params = [{transform_indices = @transform_0, window_bounds = array<i64: 2048, 32>}, {pipeline_mode = #tpu.pipeline_mode<synchronous>, transform_indices = @transform_1, window_bounds = array<i64: 1024, 32>}, {transform_indices = @transform_2, window_bounds = array<i64: 1, 2048>}, {transform_indices = @transform_3, window_bounds = array<i64: 2048, 128>}]} {
    %get3A = arith.constant 0 : index
    %get3A_0 = arith.constant 0 : index
    %get3A_1 = vector.load %arg1[%get3A, %get3A_0] : memref<2048x32xf32, #tpu.memory_space<vmem>>, vector<2048x32xf32>
    %get3A_2 = arith.constant 0 : index
    %get3A_3 = arith.constant 0 : index
    %get3A_4 = vector.load %arg2[%get3A_2, %get3A_3] : memref<1024x32xf32, #tpu.memory_space<vmem>>, vector<1024x32xf32>
    %swap3A = arith.constant 0 : index
    %swap3A_5 = arith.constant 0 : index
    %swap3A_6 = vector.load %arg4[%swap3A, %swap3A_5] : memref<2048x128xf32, #tpu.memory_space<vmem>>, vector<2048x32xf32>
    tpu.vector_store %arg4[%swap3A, %swap3A_5], %get3A_1 {strides = array<i32>} : memref<2048x128xf32, #tpu.memory_space<vmem>>, vector<2048x32xf32>,
    %broadcast_in_dim3A = arith.constant 1.000000e+00 : f32
    %broadcast_in_dim3A_7 = vector.broadcast %broadcast_in_dim3A : f32 to vector<2048x1xf32>
    %broadcast_in_dim3A_8 = arith.constant 0.000000e+00 : f32
    %broadcast_in_dim3A_9 = vector.broadcast %broadcast_in_dim3A_8 : f32 to vector<2048x95xf32>
    %concatenate3A = tpu.concatenate %broadcast_in_dim3A_7, %broadcast_in_dim3A_9 in 1 : vector<2048x1xf32>, vector<2048x95xf32> -> vector<2048x96xf32>
    %swap3A_10 = arith.constant 0 : index
    %swap3A_11 = arith.constant 32 : index
    %swap3A_12 = vector.load %arg4[%swap3A_10, %swap3A_11] : memref<2048x128xf32, #tpu.memory_space<vmem>>, vector<2048x96xf32>
    tpu.vector_store %arg4[%swap3A_10, %swap3A_11], %concatenate3A {strides = array<i32>} : memref<2048x128xf32, #tpu.memory_space<vmem>>, vector<2048x96xf32>,
    %eq3A = arith.constant 0 : i32
    %eq3A_13 = arith.cmpi eq, %arg0, %eq3A : i32
    %convert_element_type3A = arith.extui %eq3A_13 : i1 to i32
    %cond3A = arith.constant 0 : i32
    %cond3A_14 = arith.cmpi ne, %convert_element_type3A, %cond3A : i32
    scf.if %cond3A_14 {
      %mul3A_33 = arith.mulf %get3A_4, %get3A_4 : vector<1024x32xf32>
      %reduce_sum3A = arith.constant dense<0.000000e+00> : vector<1024xf32>
      %reduce_sum3A_34 = vector.multi_reduction <add>, %mul3A_33, %reduce_sum3A [1] : vector<1024x32xf32> to vector<1024xf32>
      %broadcast_in_dim3A_35 = vector.shape_cast %reduce_sum3A_34 : vector<1024xf32> to vector<1024x1xf32>
      %swap3A_36 = arith.constant 0 : index
      %swap3A_37 = arith.constant 0 : index
      %swap3A_38 = vector.load %arg5[%swap3A_36, %swap3A_37] : memref<1024x1xf32, #tpu.memory_space<vmem>>, vector<1024x1xf32>
      tpu.vector_store %arg5[%swap3A_36, %swap3A_37], %broadcast_in_dim3A_35 {strides = array<i32>} : memref<1024x1xf32, #tpu.memory_space<vmem>>, vector<1024x1xf32>,
    } else {
    }
    %get3A_15 = arith.constant 0 : index
    %get3A_16 = arith.constant 0 : index
    %get3A_17 = vector.load %arg5[%get3A_15, %get3A_16] : memref<1024x1xf32, #tpu.memory_space<vmem>>, vector<1024x1xf32>
    %dot_general3A = arith.constant dense<0.000000e+00> : vector<1024x2048xf32>
    %dot_general3A_18 = tpu.matmul %get3A_4, %get3A_1, %dot_general3A {dimension_numbers = #tpu.dot_dimension_numbers<[1], [1], [0], [0], [0, 0, 1, 0], [], []>, transpose_lhs_hint = false} : vector<1024x32xf32>, vector<2048x32xf32>, vector<1024x2048xf32> -> vector<1024x2048xf32>
    %mul3A = arith.constant 2.000000e+00 : f32
    %mul3A_19 = vector.broadcast %mul3A : f32 to vector<1024x2048xf32>
    %mul3A_20 = arith.mulf %mul3A_19, %dot_general3A_18 : vector<1024x2048xf32>
    %sub3A = vector.broadcast %get3A_17 : vector<1024x1xf32> to vector<1024x2048xf32>
    %sub3A_21 = arith.subf %sub3A, %mul3A_20 : vector<1024x2048xf32>
    %reduce_min3A = arith.constant dense<0x7F800000> : vector<2048xf32>
    %reduce_min3A_22 = vector.multi_reduction <minimumf>, %sub3A_21, %reduce_min3A [0] : vector<1024x2048xf32> to vector<2048xf32>
    %broadcast_in_dim3A_23 = vector.shape_cast %reduce_min3A_22 : vector<2048xf32> to vector<1x2048xf32>
    %iota3A = tpu.iota {dimensions = array<i32: 0>} : vector<1024x2048xi32>
    %eq3A_24 = vector.broadcast %broadcast_in_dim3A_23 : vector<1x2048xf32> to vector<1024x2048xf32>
    %eq3A_25 = arith.cmpf oeq, %sub3A_21, %eq3A_24 : vector<1024x2048xf32>
    %jit3A = arith.constant 1024 : i32
    %broadcast_in_dim3A_26 = vector.broadcast %jit3A : i32 to vector<1024x2048xi32>
    %select_n3A = arith.select %eq3A_25, %iota3A, %broadcast_in_dim3A_26 : vector<1024x2048xi1>, vector<1024x2048xi32>
    %reduce_min3A_27 = arith.constant dense<2147483647> : vector<2048xi32>
    %reduce_min3A_28 = vector.multi_reduction <minsi>, %select_n3A, %reduce_min3A_27 [0] : vector<1024x2048xi32> to vector<2048xi32>
    %broadcast_in_dim3A_29 = vector.shape_cast %reduce_min3A_28 : vector<2048xi32> to vector<1x2048xi32>
    %swap3A_30 = arith.constant 0 : index
    %swap3A_31 = arith.constant 0 : index
    %swap3A_32 = vector.load %arg3[%swap3A_30, %swap3A_31] : memref<1x2048xi32, #tpu.memory_space<vmem>>, vector<1x2048xi32>
    tpu.vector_store %arg3[%swap3A_30, %swap3A_31], %broadcast_in_dim3A_29 {strides = array<i32>} : memref<1x2048xi32, #tpu.memory_space<vmem>>, vector<1x2048xi32>,
    return
  }
  func.func @transform_0(%arg0: i32) -> (i32, i32) {
    %c0_i32 = arith.constant 0 : i32
    %c0_i32_0 = arith.constant 0 : i32
    return %arg0, %c0_i32 : i32, i32
  }
  func.func @transform_1(%arg0: i32) -> (i32, i32) {
    %c0_i32 = arith.constant 0 : i32
    %c0_i32_0 = arith.constant 0 : i32
    %c0_i32_1 = arith.constant 0 : i32
    return %c0_i32, %c0_i32_0 : i32, i32
  }
  func.func @transform_2(%arg0: i32) -> (i32, i32) {
    %c0_i32 = arith.constant 0 : i32
    %c0_i32_0 = arith.constant 0 : i32
    return %c0_i32, %arg0 : i32, i32
  }
  func.func @transform_3(%arg0: i32) -> (i32, i32) {
    %c0_i32 = arith.constant 0 : i32
    %c0_i32_0 = arith.constant 0 : i32
    return %arg0, %c0_i32 : i32, i32
  }
}

</mosaic_0001>

<sc_bundles>
// kernel: kernel.4.cloned.1.call-start
scs
__scs_entry_jumppad:
0x0: {  	(pc) =	sbr.rel $0x88, $3  }
0x1: {  	(tag) =	ssettag $0x0;
	lr =	simm.s32 $0x1  }
0x2: {  	[smem:$0x3F9F] =	sst lr;
	_ =	strace $0xD0000000  }
0x3: {  	_ = 	snop  }
0x4: {  	_ = 	snop  }
0x5: {  	_ = 	snop  }
0x6: {  	_ = 	snop  }
0x7: {  	_ = 	snop  }
__scs_overlays_trampoline_lowered:
0x8: {  	[smem:$0x3FAE] =	sst s0  }
0x9: {  	[smem:$0x3FAF] =	sst s1  }
0xa: {  	[smem:$0x3FB0] =	sst s2  }
0xb: {  	[smem:$0x3FB1] =	sst s3  }
0xc: {  	[smem:$0x3FB2] =	sst s4  }
0xd: {  	[smem:$0x3FB3] =	sst s5  }
0xe: {  	[smem:$0x3FB4] =	sst s6  }
0xf: {  	[smem:$0x3FB5] =	sst s7  }
0x10: {  	[smem:$0x3FB6] =	sst s8  }
0x11: {  	[smem:$0x3FB7] =	sst s9;
	s0 =	simm.s32 @!p0 $0x0  }
0x12: {  	s1 =	sld [smem:$0x3F9D];
	s0 =	simm.s32 @p0 $0x1  }
0x13: {  	[smem:$0x3FB8] =	sst s0;
	s0 =	simm.s32 @!p1 $0x0  }
0x14: {  	s2 =	sld [smem:$0x3F9C];
	s0 =	simm.s32 @p1 $0x1  }
0x15: {  	[smem:$0x3FB9] =	sst s0;
	s0 =	simm.s32 @!p2 $0x0  }
0x16: {  	s3 =	sld [smem:$0x3FDB];
	s0 =	simm.s32 @p2 $0x1  }
0x17: {  	s4 =	simm.s32 $0x1BF5;
	[smem:$0x3FBB] =	sst s0  }
0x18: {  	s0 =	sld [smem:$0x3F9E];
	_ =	swait.ge [sflag:s4], $0x0  }
0x19: {  	s7 =	sld [smem:$0x3F9F]  }
0x1a: {  	s8 =	sadd.s32 $0xFFFFE003, lr  }
0x1b: {  	s9 =	sadd.s32 $0xFFFFFEF7, lr;
	s5 =	simm.s32 $0xFFFFFFFF;
	p2 =	slt.u32 s8, $0xFFFFF086  }
0x1c: {  	p1 =	slt.u32 s9, $0xF7A;
	s5 =	simm.s32 @!p2 $0x0  }
0x1d: {  	s5 =	simm.s32 @p1 $0x1;
	p0 =	seq.s32 s7, s2  }
0x1e: {  	s7 =	smul.u32 @!p0 $0xF7A, s2;
	p2 =	seq.s32 @!p0 s5, $0x0  }
0x1f: {  	s9 =	smul.u32 $0xF7A, s1;
	s8 =	simm.s32 @!p0 $0x1BF5;
	p2 =	por !p2, p0  }
0x20: {  	[sflag:s8] =	ssyncset.s32 @!p0 $0xFFFFF086;
	s6 =	sadd.s32 @!p0 s3, s7;
	s7 =	simm.s32 @!p0 $0x108  }
0x21: {  	s3 =	sadd.s32 s3, s9;
	s6 =	sadd.s32 @!p0 $0x88, s6;
	s7 =	simm.s32 @p2 $0x1082  }
0x22: {  	[simem:s7], [sflag:s8] =	dma.local @!p0 [hbm:s6], $0xF7A  }
0x23: {  	s9 =	sor.u32 $0xD0000000, s2;
	s6 =	simm.s32 $0x108;
	_ =	swait.ge @!p0 [sflag:s8], $0x0  }
0x24: {  	s3 =	sadd.s32 $0x88, s3;
	s6 =	simm.s32 @!p1 $0x1082;
	[sflag:s4] =	ssyncset.s32 $0xFFFFF086  }
0x25: {  	[simem:s6], [sflag:s4] =	dma.local [hbm:s3], $0xF7A  }
0x26: {  	[smem:$0x3F9F] =	sst s1;
	(tag) =	ssettag s2;
	_ =	strace s9  }
0x27: {  	s1 =	sld [smem:$0x3FAF]  }
0x28: {  	s2 =	sld [smem:$0x3FB0]  }
0x29: {  	s4 =	sld [smem:$0x3FB2]  }
0x2a: {  	p0 =	seq.s32 s5, $0x0;
	s5 =	sld [smem:$0x3FB3]  }
0x2b: {  	s6 =	sld [smem:$0x3FB4]  }
0x2c: {  	s7 =	sld [smem:$0x3FB5]  }
0x2d: {  	s3 =	simm.s32 $0x108;
	s8 =	sld [smem:$0x3FB6]  }
0x2e: {  	s3 =	simm.s32 @!p0 $0x1082;
	s9 =	sld [smem:$0x3FB7]  }
0x2f: {  	lr =	sadd.s32 s0, s3;
	s0 =	sld [smem:$0x3FAE]  }
0x30: {  	s3 =	sld [smem:$0x3FB1]  }
0x31: {  	[smem:$0x3FBA] =	sst s10  }
0x32: {  	s10 =	sld [smem:$0x3FB8];
	_ =	sdelay $0x3  }
0x33: {  	p0 =	seq.s32 s10, $0x1;
	s10 =	sld [smem:$0x3FBA];
	_ =	sdelay $0x3  }
0x34: {  	[smem:$0x3FBA] =	sst s10  }
0x35: {  	s10 =	sld [smem:$0x3FB9];
	_ =	sdelay $0x3  }
0x36: {  	p1 =	seq.s32 s10, $0x1;
	s10 =	sld [smem:$0x3FBA];
	_ =	sdelay $0x3  }
0x37: {  	[smem:$0x3FBA] =	sst s10  }
0x38: {  	s10 =	sld [smem:$0x3FBB]  }
0x39: {  	_ = 	snop;
	(pc) =	sbr.ind lr, $3  }
0x3a: {  	_ = 	snop  }
0x3b: {  	_ = 	snop  }
0x3c: {  	p2 =	seq.s32 s10, $0x1;
	s10 =	sld [smem:$0x3FBA]  }
0x3d: {  	_ =	shalt  }
0x3e: {  	_ =	shalt  }
0x3f: {  	_ =	shalt  }
0x40: {  	_ =	shalt  }
0x41: {  	_ =	shalt  }
0x42: {  	_ =	shalt  }
0x43: {  	_ =	shalt  }
0x44: {  	_ =	shalt  }
0x45: {  	_ =	shalt  }
0x46: {  	_ =	shalt  }
0x47: {  	_ =	shalt  }
0x48: {  	_ =	shalt  }
0x49: {  	_ =	shalt  }
0x4a: {  	_ =	shalt  }
0x4b: {  	_ =	shalt  }
0x4c: {  	_ =	shalt  }
0x4d: {  	_ =	shalt  }
0x4e: {  	_ =	shalt  }
0x4f: {  	_ =	shalt  }
0x50: {  	_ =	shalt  }
0x51: {  	_ =	shalt  }
0x52: {  	_ =	shalt  }
0x53: {  	_ =	shalt  }
0x54: {  	_ =	shalt  }
0x55: {  	_ =	shalt  }
0x56: {  	_ =	shalt  }
0x57: {  	_ =	shalt  }
0x58: {  	_ =	shalt  }
0x59: {  	_ =	shalt  }
0x5a: {  	_ =	shalt  }
0x5b: {  	_ =	shalt  }
0x5c: {  	_ =	shalt  }
0x5d: {  	_ =	shalt  }
0x5e: {  	_ =	shalt  }
0x5f: {  	_ =	shalt  }
0x60: {  	_ =	shalt  }
0x61: {  	_ =	shalt  }
0x62: {  	_ =	shalt  }
0x63: {  	_ =	shalt  }
0x64: {  	_ =	shalt  }
0x65: {  	_ =	shalt  }
0x66: {  	_ =	shalt  }
0x67: {  	_ =	shalt  }
0x68: {  	_ =	shalt  }
0x69: {  	_ =	shalt  }
0x6a: {  	_ =	shalt  }
0x6b: {  	_ =	shalt  }
0x6c: {  	_ =	shalt  }
0x6d: {  	_ =	shalt  }
0x6e: {  	_ =	shalt  }
0x6f: {  	_ =	shalt  }
0x70: {  	_ =	shalt  }
0x71: {  	_ =	shalt  }
0x72: {  	_ =	shalt  }
0x73: {  	_ =	shalt  }
0x74: {  	_ =	shalt  }
0x75: {  	_ =	shalt  }
0x76: {  	_ =	shalt  }
0x77: {  	_ =	shalt  }
0x78: {  	_ =	shalt  }
0x79: {  	_ =	shalt  }
0x7a: {  	_ =	shalt  }
0x7b: {  	_ =	shalt  }
0x7c: {  	_ =	shalt  }
0x7d: {  	_ =	shalt  }
0x7e: {  	_ =	shalt  }
0x7f: {  	_ =	shalt  }
0x80: {  	_ =	shalt  }
0x81: {  	_ =	shalt  }
0x82: {  	_ =	shalt  }
0x83: {  	_ =	shalt  }
0x84: {  	_ =	shalt  }
0x85: {  	_ =	shalt  }
0x86: {  	_ =	shalt  }
0x87: {  	_ =	shalt  }
.Lfunc_end0:
.L_simem_size_0:
called_computation_lowered:
.L_overlay_start_0:
0x88: {  	s2 =	sld [smem:$0x3FD9]  }
0x89: {  	s3 =	sld [smem:$0x3FFE];
	_ =	sdelay $0x1  }
0x8a: {  	s1 =	srdreg.scid  }
0x8b: {  	s0 =	sand.u32 $0x1, s1  }
0x8c: {  	s17 =	sshll.u32 s0, $0xA;
	s2 =	sadd.s32 s3, s2  }
0x8d: {  	s2 =	sadd.s32 s2, s17  }
0x8e: {  	[smem:$0x3FC6] =	sst s2  }
0x8f: {  	_ = 	snop  }
0x90: {  	s2 =	sld [smem:$0x3FD0];
	(tm) =	ssettm $0x1  }
0x91: {  	s18 =	sld [smem:$0x3FFB];
	_ =	sdelay $0x3  }
0x92: {  	_ =	strace s18  }
0x93: {  	s3 =	sld [smem:$0x3FFC];
	_ =	sdelay $0x3  }
0x94: {  	_ =	strace s3  }
0x95: {  	s3 =	sld [smem:$0x3FFD];
	_ =	sdelay $0x3  }
0x96: {  	_ =	strace s3  }
0x97: {  	_ =	strace $0x8FFFFFFF  }
0x98: {  	s19 =	sld [smem:$0x3FDB];
	_ =	sdelay $0x1  }
0x99: {  	s4 =	simm.s32 $_scs_section_size  }
0x9a: {  	s5 =	simm.s32 $_size__tile_overlayer_lowered;
	s6 =	simm.s32 $_tile_overlayer_lowered  }
0x9b: {  	s22 =	simm.s32 $0x1BFF;
	s21 =	sshll.u32 s6, $0x1;
	s3 =	sadd.s32 s4, s19  }
0x9c: {  	s7 =	simm.s32 $0x0;
	s20 =	sshll.u32 s5, $0x1;
	s5 =	sadd.s32 s21, s3  }
0x9d: {  	[timem:s7], [sflag:s22] =	dma.local [hbm:s5], s20  }
0x9e: {  	_ =	swait.ge [sflag:s22], s20  }
0x9f: {  	s4 =	ssub.s32 $0x0, s20;
	[sflag:s22] =	ssyncset.done $0x0  }
0xa0: {  	[sflag:s22] =	ssyncadd.s32 s4;
	_ =	sdelay $0x1  }
0xa1: {  	s23 =	simm.s32 $0x1B8B  }
0xa2: {  	_ =	swait.ge [sflag:s23], $0x1  }
0xa3: {  	[sflag:s23] =	ssyncset.done $0x0  }
0xa4: {  	s25 =	simm.s32 $0x1B8E;
	s24 =	sld [smem:$0x3FFE];
	[sflag:s23] =	ssyncadd.s32 $0xFFFFFFFF  }
0xa5: {  	s26 =	simm.s32 $execute0_lowered;
	[smem:$0x3FD2] =	sst s25  }
0xa6: {  	s5 =	sshll.u32 s26, $0x1;
	_ =	strace $0x80000046;
	[dreg:$0x1] =	wrdreg $0xFFFFFFFF  }
0xa7: {  	s28 =	simm.s32 $_size_execute0_lowered;
	s3 =	sadd.s32 s3, s5;
	[dreg:$0x0] =	wrdreg $0x0  }
0xa8: {  	s5 =	sshll.u32 s28, $0x1;
	[dreg:$0x2] =	wrdreg s3  }
0xa9: {  	[dreg:$0x3] =	wrdreg s5  }
0xaa: {  	[dreg:$0x4] =	wrdreg $0xC0  }
0xab: {  	_ =	task [dreg:s7], $0x5FFFF  }
0xac: {  	[dreg:$0x1] =	wrdreg $0xFFFFFFFF  }
0xad: {  	[dreg:$0x0] =	wrdreg $0x60  }
0xae: {  	[dreg:$0x2] =	wrdreg s2  }
0xaf: {  	[dreg:$0x3] =	wrdreg s24  }
0xb0: {  	[dreg:$0x4] =	wrdreg $0xE8800  }
0xb1: {  	[dreg:$0x5] =	wrdreg $0x108800  }
0xb2: {  	[dreg:$0x6] =	wrdreg $0x9  }
0xb3: {  	_ =	task.clear_ibuf [dreg:s7], $0x7FFFF;
	_ =	strace $0x90000046  }
0xb4: {  	s29 =	simm.s32 $0x9;
	_ =	strace $0x80000048  }
0xb5: {  	_ =	swait.ge [sflag:s29], $0x1  }
0xb6: {  	[sflag:s29] =	ssyncadd.s32 $0xFFFFFFFF  }
0xb7: {  	_ =	strace $0x90000048  }
0xb8: {  	_ =	sfence  }
0xb9: {  	s30 =	sld [smem:$0x0];
	_ =	sdelay $0x2  }
0xba: {  	s31 =	sshll.u32 s1, $0xD;
	s1 =	sshrl.u32 s1, $0x2  }
0xbb: {  	s3 =	sand.u32 $0x4000, s31;
	s1 =	sadd.s32 s1, s30  }
0xbc: {  	s0 =	sor.u32 s3, s0;
	s1 =	sshll.u32 s1, $0x11  }
0xbd: {  	s0 =	sor.u32 s1, s0  }
0xbe: {  	s0 =	sadd.s32 $0x8F2B, s0  }
0xbf: {  	[sflag:s0] =	ssyncadd.remote.s32 $0x1  }
0xc0: {  	_ =	sfence.sel $0xFFFF  }
0xc1: {  	[dreg:$0x0] =	wrdreg $0xFFFFFFFF;
	(pc) =	sbr.abs _section_cstart, $3  }
0xc2: {  	[dreg:$0x1] =	wrdreg $0xFFFFFFFF  }
0xc3: {  	_ =	task.clear_ibuf [dreg:s7], $0x2FFFF;
	_ =	strace $0x9FFFFFFF  }
0xc4: {  	(tm) =	ssettm $0x7FFFFFFF  }
0xc5: {  	_ =	shalt  }
tec
execute0_lowered:
.L_overlay_start_1:
0x0: {  	(tag) =	ssettag $0x1  }
0x1: {  	s1 =	srdreg.scid  }
0x2: {  	s1 =	sand.u32 $0x1, s1  }
0x3: {  	s5 =	rddreg [dreg:$0x0];
	p0 =	seq.s32 s1, $0x1  }
.Ltmp0:
0x4: {  	s2 =	rddreg [dreg:$0x1];
	(pc) =	sbr.rel @p0 .LBB2_16-.Ltmp0, $4  }
0x5: {  	s9 =	rddreg [dreg:$0x2]  }
0x6: {  	s4 =	rddreg [dreg:$0x3];
	s6 =	simm.s32 $0x0  }
0x7: {  	[smem:$0x7FF] =	sst s6  }
0x8: {  	s0 =	rddreg [dreg:$0x4];
	_ =	strace $0x80000047;
	s1 =	stileid.u32  }
0x9: {  	s3 =	sshll.u32 s1, $0xE;
	s7 =	sshll.u32 s1, $0xA  }
0xa: {  	s10 =	sshll.u32 s1, $0xD;
	s11 =	sshll.u32 s1, $0x7;
	s12 =	simm.s32 $0x3  }
0xb: {  	s18 =	simm.s32 $0x200;
	s8 =	sadd.s32 s3, s2;
	s7 =	sadd.s32 s7, s2  }
0xc: {  	s2 =	sadd.s32 $0x44C00, s2;
	s3 =	sshll.u32 s1, $0x6;
	s10 =	sadd.s32 s10, s9  }
0xd: {  	s5 =	sadd.s32 s5, s11;
	s21 =	sadd.s32 $0x4C00, s8;
	s20 =	sadd.s32 $0x5400, s8  }
0xe: {  	s19 =	sadd.s32 $0x5C00, s8;
	s17 =	sadd.s32 $0x6400, s8;
	s16 =	sadd.s32 $0x6C00, s8  }
0xf: {  	v0 =	vlaneseq.u32;
	[tilespmem:s6], [sflag:$0x3] =	stream.linear.gather [hbm4b:s5+s6], $0x400, $0x38;
	[tilespmem:$0x108C0] =	vst v63  }
0x10: {  	v7 =	vimm.f32 $0.0e+00;
	v1 =	vor.u32 $0x10, v0;
	s15 =	sadd.s32 $0x7400, s8;
	s14 =	sadd.s32 $0x7C00, s8;
	s13 =	sadd.s32 $0x8400, s8  }
0x11: {  	v2 =	vor.u32 $0x30, v0;
	s11 =	sadd.s32 $0xC00, s7;
	v6 =	vor.u32 s3, v1;
	v1 =	vor.u32 $0x20, v0;
	s6 =	sor.u32 $0x10, s3;
	_ =	swait.ge [sflag:s12], $0x400  }
0x12: {  	v3 =	vor.u32 s3, v0;
	v4 =	vor.u32 s3, v2;
	s7 =	sor.u32 $0x20, s3;
	s5 =	sor.u32 $0x30, s3;
	v5 =	vor.u32 s3, v1;
	[sflag:s12] =	ssyncset.done $0x0  }
0x13: {  	s8 =	sadd.s32 s3, s4;
	v2 =	vor.u32 s6, v0;
	v1 =	vor.u32 s7, v0;
	v0 =	vor.u32 s5, v0;
	[sflag:s12] =	ssyncadd.s32 $0xFFFFFC00;
	s12 =	simm.s32 $0x0  }
.LBB2_2:
0x14: {  	p0 =	sne.s32 s18, $0x7E00;
	[tilespmem:s12+$0xC8F0] =	vst v7  }
0x15: {  	[tilespmem:s12+$0xC880] =	vst v7  }
0x16: {  	[tilespmem:s12+$0xC890] =	vst v7  }
.Ltmp1:
0x17: {  	[tilespmem:s12+$0xC8A0] =	vst v7;
	(pc) =	sbr.rel @p0 .LBB2_2-.Ltmp1, $4  }
0x18: {  	[tilespmem:s12+$0xC8B0] =	vst v7  }
0x19: {  	[tilespmem:s12+$0xC8C0] =	vst v7  }
0x1a: {  	[tilespmem:s12+$0xC8D0] =	vst v7  }
0x1b: {  	[tilespmem:s12+$0xC8E0] =	vst v7;
	s12 =	sshra.s32 s18, $0x2;
	s18 =	sadd.s32 $0x200, s18  }
0x1c: {  	[tilespmem:s12+$0xC8F0] =	vst v7  }
0x1d: {  	[tilespmem:s12+$0xC880] =	vst v7  }
0x1e: {  	[tilespmem:s12+$0xC890] =	vst v7  }
0x1f: {  	[tilespmem:s12+$0xC8A0] =	vst v7  }
0x20: {  	[tilespmem:s12+$0xC8B0] =	vst v7  }
0x21: {  	[tilespmem:s12+$0xC8C0] =	vst v7  }
0x22: {  	[tilespmem:s12+$0xC8D0] =	vst v7  }
0x23: {  	[tilespmem:s12+$0xC8E0] =	vst v7;
	s25 =	simm.s32 $0xC880;
	s12 =	simm.s32 $0x3  }
0x24: {  	[spmem:s10] =	stream.linear.scatter [tilespmem:s25], [sflag:$0x3], $0x2000, $0x38;
	[tilespmem:$0x108C0] =	vst v63  }
0x25: {  	_ =	swait.ge [sflag:s12], $0x2000  }
0x26: {  	[sflag:s12] =	ssyncset.done $0x0  }
0x27: {  	[sflag:s12] =	ssyncadd.s32 $0xFFFFE000  }
0x28: {  	s18 =	simm.s32 $0x0;
	s22 =	simm.s32 $0x400;
	[bflag:$0x0] =	sbarrier.arrive $0xFFFF  }
0x29: {  	[tilespmem:s22], [sflag:$0x1] =	stream.linear.gather [hbm4b:s21+s18], $0x4000, $0x38;
	[tilespmem:$0x108C0] =	vst v63  }
0x2a: {  	s26 =	simm.s32 $0x4400;
	s23 =	simm.s32 $0x1  }
0x2b: {  	[tilespmem:s26], [sflag:$0x2] =	stream.linear.gather [hbm4b:s20+s18], $0x4000, $0x38;
	[tilespmem:$0x108C0] =	vst v63  }
0x2c: {  	_ =	swait.ge [sflag:s23], $0x4000  }
0x2d: {  	[sflag:s23] =	ssyncset.done $0x0  }
0x2e: {  	s28 =	simm.s32 $0x80;
	[sflag:s23] =	ssyncadd.s32 $0xFFFFC000  }
0x2f: {  	[spmem:s9] =	stream.indirect.scatter.add.f32 [tilespmem:s22], [sflag:$0x3], $0x80, s18, s28, $0xb8;
	[tilespmem:$0x108C0] =	vst v63  }
0x30: {  	_ =	swait.ge [sflag:s12], $0x4000  }
0x31: {  	[sflag:s12] =	ssyncset.done $0x0  }
0x32: {  	s29 =	simm.s32 $0x2;
	[sflag:s12] =	ssyncadd.s32 $0xFFFFC000  }
0x33: {  	[tilespmem:s22], [sflag:$0x1] =	stream.linear.gather [hbm4b:s19+s18], $0x4000, $0x38;
	[tilespmem:$0x108C0] =	vst v63  }
0x34: {  	_ =	swait.ge [sflag:s29], $0x4000  }
0x35: {  	[sflag:s29] =	ssyncset.done $0x0  }
0x36: {  	[sflag:s29] =	ssyncadd.s32 $0xFFFFC000  }
0x37: {  	[spmem:s9] =	stream.indirect.scatter.add.f32 [tilespmem:s26], [sflag:$0x3], $0x80, s28, s28, $0xb8;
	[tilespmem:$0x108C0] =	vst v63  }
0x38: {  	_ =	swait.ge [sflag:s12], $0x4000  }
0x39: {  	[sflag:s12] =	ssyncset.done $0x0  }
0x3a: {  	[sflag:s12] =	ssyncadd.s32 $0xFFFFC000  }
0x3b: {  	[tilespmem:s26], [sflag:$0x2] =	stream.linear.gather [hbm4b:s17+s18], $0x4000, $0x38;
	[tilespmem:$0x108C0] =	vst v63  }
0x3c: {  	_ =	swait.ge [sflag:s23], $0x4000  }
0x3d: {  	[sflag:s23] =	ssyncset.done $0x0  }
0x3e: {  	s30 =	simm.s32 $0x100;
	[sflag:s23] =	ssyncadd.s32 $0xFFFFC000  }
0x3f: {  	[spmem:s9] =	stream.indirect.scatter.add.f32 [tilespmem:s22], [sflag:$0x3], $0x80, s30, s28, $0xb8;
	[tilespmem:$0x108C0] =	vst v63  }
0x40: {  	_ =	swait.ge [sflag:s12], $0x4000  }
0x41: {  	[sflag:s12] =	ssyncset.done $0x0  }
0x42: {  	[sflag:s12] =	ssyncadd.s32 $0xFFFFC000  }
0x43: {  	[tilespmem:s22], [sflag:$0x1] =	stream.linear.gather [hbm4b:s16+s18], $0x4000, $0x38;
	[tilespmem:$0x108C0] =	vst v63  }
0x44: {  	_ =	swait.ge [sflag:s29], $0x4000  }
0x45: {  	[sflag:s29] =	ssyncset.done $0x0  }
0x46: {  	s31 =	simm.s32 $0x180;
	[sflag:s29] =	ssyncadd.s32 $0xFFFFC000  }
0x47: {  	[spmem:s9] =	stream.indirect.scatter.add.f32 [tilespmem:s26], [sflag:$0x3], $0x80, s31, s28, $0xb8;
	[tilespmem:$0x108C0] =	vst v63  }
0x48: {  	_ =	swait.ge [sflag:s12], $0x4000  }
0x49: {  	[sflag:s12] =	ssyncset.done $0x0  }
0x4a: {  	[sflag:s12] =	ssyncadd.s32 $0xFFFFC000  }
0x4b: {  	[tilespmem:s26], [sflag:$0x2] =	stream.linear.gather [hbm4b:s15+s18], $0x4000, $0x38;
	[tilespmem:$0x108C0] =	vst v63  }
0x4c: {  	_ =	swait.ge [sflag:s23], $0x4000  }
0x4d: {  	[sflag:s23] =	ssyncset.done $0x0  }
0x4e: {  	s16 =	simm.s32 $0x200;
	[sflag:s23] =	ssyncadd.s32 $0xFFFFC000  }
0x4f: {  	[spmem:s9] =	stream.indirect.scatter.add.f32 [tilespmem:s22], [sflag:$0x3], $0x80, s16, s28, $0xb8;
	[tilespmem:$0x108C0] =	vst v63  }
0x50: {  	_ =	swait.ge [sflag:s12], $0x4000  }
0x51: {  	[sflag:s12] =	ssyncset.done $0x0  }
0x52: {  	[sflag:s12] =	ssyncadd.s32 $0xFFFFC000  }
0x53: {  	[tilespmem:s22], [sflag:$0x1] =	stream.linear.gather [hbm4b:s14+s18], $0x4000, $0x38;
	[tilespmem:$0x108C0] =	vst v63  }
0x54: {  	_ =	swait.ge [sflag:s29], $0x4000  }
0x55: {  	[sflag:s29] =	ssyncset.done $0x0  }
0x56: {  	s17 =	simm.s32 $0x280;
	[sflag:s29] =	ssyncadd.s32 $0xFFFFC000  }
0x57: {  	[spmem:s9] =	stream.indirect.scatter.add.f32 [tilespmem:s26], [sflag:$0x3], $0x80, s17, s28, $0xb8;
	[tilespmem:$0x108C0] =	vst v63  }
0x58: {  	_ =	swait.ge [sflag:s12], $0x4000  }
0x59: {  	[sflag:s12] =	ssyncset.done $0x0  }
0x5a: {  	[sflag:s12] =	ssyncadd.s32 $0xFFFFC000  }
0x5b: {  	[tilespmem:s26], [sflag:$0x2] =	stream.linear.gather [hbm4b:s13+s18], $0x4000, $0x38;
	[tilespmem:$0x108C0] =	vst v63  }
0x5c: {  	_ =	swait.ge [sflag:s23], $0x4000  }
0x5d: {  	[sflag:s23] =	ssyncset.done $0x0  }
0x5e: {  	s24 =	simm.s32 $0x300;
	[sflag:s23] =	ssyncadd.s32 $0xFFFFC000  }
0x5f: {  	[spmem:s9] =	stream.indirect.scatter.add.f32 [tilespmem:s22], [sflag:$0x3], $0x80, s24, s28, $0xb8;
	[tilespmem:$0x108C0] =	vst v63  }
0x60: {  	_ =	swait.ge [sflag:s12], $0x4000  }
0x61: {  	[sflag:s12] =	ssyncset.done $0x0  }
0x62: {  	[sflag:s12] =	ssyncadd.s32 $0xFFFFC000  }
0x63: {  	_ =	swait.ge [sflag:s29], $0x4000  }
0x64: {  	[sflag:s29] =	ssyncset.done $0x0  }
0x65: {  	s25 =	simm.s32 $0x380;
	[sflag:s29] =	ssyncadd.s32 $0xFFFFC000  }
0x66: {  	[spmem:s9] =	stream.indirect.scatter.add.f32 [tilespmem:s26], [sflag:$0x3], $0x80, s25, s28, $0xb8;
	[tilespmem:$0x108C0] =	vst v63  }
0x67: {  	_ =	swait.ge [sflag:s12], $0x4000  }
0x68: {  	[sflag:s12] =	ssyncset.done $0x0  }
0x69: {  	[sflag:s12] =	ssyncadd.s32 $0xFFFFC000  }
0x6a: {  	s26 =	simm.s32 $0x8880;
	[bflag:$0x0] =	sbarrier.arrive $0xFFFF  }
0x6b: {  	v7 =	vlaneseq.u32;
	[tilespmem:s26], [sflag:$0x3] =	stream.linear.gather [spmem:s10], $0x2000, $0x38;
	[tilespmem:$0x108C0] =	vst v63  }
0x6c: {  	v7 =	vmul.u32 $0x80, v7;
	_ =	swait.ge [sflag:s12], $0x2000  }
0x6d: {  	[sflag:s12] =	ssyncset.done $0x0  }
0x6e: {  	v8 =	vor.u32 $0x20, v7;
	s28 =	simm.s32 $0xA880;
	[sflag:s12] =	ssyncadd.s32 $0xFFFFE000  }
0x6f: {  	[tilespmem:s28], [sflag:$0x3] =	stream.linear.gather [hbm4b:s11+s18], $0x2000, $0x38;
	[tilespmem:$0x108C0] =	vst v63  }
0x70: {  	_ =	swait.ge [sflag:s12], $0x2000  }
0x71: {  	[sflag:s12] =	ssyncset.done $0x0  }
0x72: {  	[sflag:s12] =	ssyncadd.s32 $0xFFFFE000  }
0x73: {  	v8 =	vld.idx.msk [tilespmem:v8+s26+$0x0], $0xffff;
	_ =	sdelay $0x4  }
0x74: {  	v8 =	vtrunc.f32 v8  }
0x75: {  	v9 =	vor.u32 $0x820, v7;
	v8 =	vcvt.f32.s32 v8;
	_ =	sdelay $0x1  }
0x76: {  	v8 =	vshll.u32 v8, $0xA  }
0x77: {  	v8 =	vor.u32 v3, v8  }
0x78: {  	[tilespmem:$0x8800] =	vst v8  }
0x79: {  	v8 =	vld.idx.msk [tilespmem:v9+s26+$0x0], $0xffff;
	_ =	sdelay $0x4  }
0x7a: {  	v8 =	vtrunc.f32 v8  }
0x7b: {  	v9 =	vor.u32 $0x1020, v7;
	v8 =	vcvt.f32.s32 v8;
	_ =	sdelay $0x1  }
0x7c: {  	v8 =	vshll.u32 v8, $0xA  }
0x7d: {  	v6 =	vor.u32 v6, v8  }
0x7e: {  	[tilespmem:$0x8810] =	vst v6  }
0x7f: {  	v6 =	vld.idx.msk [tilespmem:v9+s26+$0x0], $0xffff;
	_ =	sdelay $0x4  }
0x80: {  	v6 =	vtrunc.f32 v6  }
0x81: {  	v7 =	vor.u32 $0x1820, v7;
	v6 =	vcvt.f32.s32 v6;
	_ =	sdelay $0x1  }
0x82: {  	v6 =	vshll.u32 v6, $0xA  }
0x83: {  	v5 =	vor.u32 v5, v6  }
0x84: {  	[tilespmem:$0x8820] =	vst v5  }
0x85: {  	v5 =	vld.idx.msk [tilespmem:v7+s26+$0x0], $0xffff;
	_ =	sdelay $0x4  }
0x86: {  	v5 =	vtrunc.f32 v5  }
0x87: {  	v5 =	vcvt.f32.s32 v5;
	_ =	sdelay $0x1  }
0x88: {  	v5 =	vshll.u32 v5, $0xA  }
0x89: {  	v4 =	vor.u32 v4, v5  }
0x8a: {  	s29 =	simm.s32 $0x8800;
	[tilespmem:$0x8830] =	vst v4  }
0x8b: {  	[spmem:s8] =	stream.linear.scatter [tilespmem:s29], [sflag:$0x3], $0x40, $0x38;
	[tilespmem:$0x108C0] =	vst v63  }
0x8c: {  	_ =	swait.ge [sflag:s12], $0x40  }
0x8d: {  	[sflag:s12] =	ssyncset.done $0x0  }
0x8e: {  	[sflag:s12] =	ssyncadd.s32 $0xFFFFFFC0  }
0x8f: {  	s30 =	simm.s32 $0x8400;
	[bflag:$0x0] =	sbarrier.arrive $0xFFFF  }
0x90: {  	[tilespmem:s30], [sflag:$0x3] =	stream.linear.gather [spmem:s4], $0x400, $0x38;
	[tilespmem:$0x108C0] =	vst v63  }
0x91: {  	_ =	swait.ge [sflag:s12], $0x400  }
0x92: {  	[sflag:s12] =	ssyncset.done $0x0  }
0x93: {  	s31 =	simm.s32 $0x0;
	[sflag:s12] =	ssyncadd.s32 $0xFFFFFC00  }
0x94: {  	v10 =	vld [tilespmem:s31+$0x8400]  }
0x95: {  	v9 =	vimm.s32 $0x0;
	v7 =	vimm.s32 $0x0;
	s4 =	simm.s32 $0x40  }
.LBB2_4:
0x96: {  	p0 =	sne.s32 s4, $0xFC0  }
.Ltmp2:
0x97: {  	_ = 	snop;
	(pc) =	sbr.rel @p0 .LBB2_4-.Ltmp2, $4  }
0x98: {  	_ = 	snop  }
0x99: {  	s8 =	sshra.s32 s4, $0x2;
	s4 =	sadd.s32 $0x40, s4;
	vm0 =	vlt.s32 v10, $0x400  }
0x9a: {  	v10 =	vld [tilespmem:s8+$0x8400];
	v4 =	vsel vm0, $0x1, v7  }
0x9b: {  	v9 =	vadd.s32 v4, v9  }
0x9c: {  	s4 =	simm.s32 $0x0;
	s8 =	simm.s32 $0x3  }
0x9d: {  	s30 =	simm.s32 $0x1;
	v4 =	vmov s4;
	v11 =	vmov s8  }
0x9e: {  	v5 =	vmov s30;
	v4 =	vand.u32 $0xFFFFFFFC, v4  }
0x9f: {  	v8 =	vld [tilespmem:s3+$0x8400];
	v5 =	vand.u32 $0xFFFFFFFD, v5;
	v12 =	vbroadcast v4, $0x0  }
0xa0: {  	v6 =	vld [tilespmem:s6+$0x8400];
	s31 =	simm.s32 $0x2;
	v13 =	vbroadcast v5, $0x0  }
0xa1: {  	s3 =	simm.s32 $0x8400;
	v5 =	vld [tilespmem:s7+$0x8400];
	v4 =	vmov s31  }
0xa2: {  	v14 =	vand.u32 $0xFFFFFFFE, v4;
	v11 =	vld.idx.msk [tilespmem:v11+s3+$0x0], $0xffff  }
0xa3: {  	v4 =	vld [tilespmem:s5+$0x8400];
	v14 =	vbroadcast v14, $0x0;
	_ =	sdelay $0x1  }
0xa4: {  	vm0 =	vlt.s32 v10, $0x400;
	v15 =	vld.idx.msk [tilespmem:v12+s3+$0x0], $0xffff  }
0xa5: {  	v7 =	vsel vm0, $0x1, v7;
	v16 =	vld.idx.msk [tilespmem:v13+s3+$0x0], $0xffff  }
0xa6: {  	v10 =	vimm.s32 $0x0;
	v9 =	vadd.s32 v7, v9;
	vm0 =	vlt.s32 v11, v6  }
0xa7: {  	vm1 =	vlt.s32 v11, v5;
	vm2 =	vlt.s32 v11, v4;
	vm3 =	vlt.s32 v11, v8  }
0xa8: {  	v7 =	vld.idx.msk [tilespmem:v14+s3+$0x0], $0xffff;
	v11 =	vsel vm1, $0x1, v10;
	v12 =	vsel vm3, $0x1, v10;
	v13 =	vsel vm0, $0x1, v10  }
0xa9: {  	v14 =	vsel vm2, $0x1, v10;
	vm1 =	vlt.s32 v15, v8;
	vm2 =	vlt.s32 v15, v6  }
0xaa: {  	vm0 =	vlt.s32 v15, v5;
	vm3 =	vlt.s32 v15, v4;
	vm4 =	vlt.s32 v16, v8  }
0xab: {  	v17 =	vsel vm1, $0x1, v10;
	vm1 =	vlt.s32 v16, v6;
	v22 =	vsel vm3, $0x1, v10  }
0xac: {  	v18 =	vsel vm2, $0x1, v10;
	v15 =	vadd.s32 v17, v10;
	v17 =	vsel vm4, $0x1, v10  }
0xad: {  	vm2 =	vlt.s32 v7, v4;
	v21 =	vadd.s32 v18, v10;
	v18 =	vimm.s32 $0x0  }
0xae: {  	s5 =	simm.s32 $0x4;
	v17 =	vadd.s32 v17, v15;
	v20 =	vsel vm2, $0x1, v10;
	v15 =	vimm.s32 $0x0  }
.LBB2_6:
0xaf: {  	s6 =	sadd.s32 $0x1, s5  }
0xb0: {  	s7 =	sadd.s32 $0x3, s5;
	v19 =	vsel vm1, $0x1, v10;
	vm1 =	vlt.s32 v16, v5;
	vm2 =	vlt.s32 v16, v4;
	s8 =	smov.u32 s5;
	s4 =	sadd.s32 $0x4, s5  }
0xb1: {  	p0 =	sne.s32 s5, $0x3FC;
	v16 =	vmov s8;
	v23 =	vmov s6;
	v24 =	vmov s7  }
0xb2: {  	v25 =	vsel vm1, $0x1, v10;
	v16 =	vand.u32 $0xFFFFFFFC, v16;
	v23 =	vand.u32 $0xFFFFFFFD, v23  }
0xb3: {  	v18 =	vadd.s32 v22, v18;
	s5 =	sadd.s32 $0x2, s8;
	v16 =	vbroadcast v16, $0x0;
	v23 =	vbroadcast v23, $0x0  }
0xb4: {  	v26 =	vsel vm0, $0x1, v10;
	v27 =	vsel vm2, $0x1, v10;
	v22 =	vmov s5  }
0xb5: {  	vm0 =	vlt.s32 v7, v6;
	v19 =	vadd.s32 v19, v21;
	v22 =	vand.u32 $0xFFFFFFFE, v22  }
0xb6: {  	vm1 =	vlt.s32 v7, v8;
	v18 =	vadd.s32 v27, v18;
	v21 =	vbroadcast v22, $0x0;
	v22 =	vld.idx.msk [tilespmem:v24+s3+$0x0], $0xffff  }
0xb7: {  	v24 =	vsel vm0, $0x1, v10;
	vm0 =	vlt.s32 v7, v5;
	v7 =	vadd.s32 v20, v18  }
0xb8: {  	v15 =	vadd.s32 v26, v15;
	v19 =	vadd.s32 v24, v19;
	v18 =	vadd.s32 v14, v7  }
0xb9: {  	v7 =	vsel vm1, $0x1, v10;
	v14 =	vadd.s32 v25, v15;
	v15 =	vsel vm0, $0x1, v10;
	v20 =	vld.idx.msk [tilespmem:v16+s3+$0x0], $0xffff  }
0xba: {  	v7 =	vadd.s32 v7, v17;
	v19 =	vadd.s32 v13, v19;
	v13 =	vadd.s32 v15, v14;
	v16 =	vld.idx.msk [tilespmem:v23+s3+$0x0], $0xffff  }
0xbb: {  	v17 =	vadd.s32 v12, v7;
	v15 =	vadd.s32 v11, v13  }
0xbc: {  	vm0 =	vlt.s32 v22, v6;
	vm1 =	vlt.s32 v22, v5;
	vm2 =	vlt.s32 v22, v4;
	v7 =	vld.idx.msk [tilespmem:v21+s3+$0x0], $0xffff  }
0xbd: {  	vm3 =	vlt.s32 v22, v8;
	v11 =	vsel vm1, $0x1, v10  }
0xbe: {  	v12 =	vsel vm3, $0x1, v10;
	v13 =	vsel vm0, $0x1, v10;
	v14 =	vsel vm2, $0x1, v10  }
.Ltmp3:
0xbf: {  	vm1 =	vlt.s32 v20, v8;
	vm2 =	vlt.s32 v20, v6;
	vm0 =	vlt.s32 v20, v5;
	(pc) =	sbr.rel @p0 .LBB2_6-.Ltmp3, $4  }
0xc0: {  	vm3 =	vlt.s32 v20, v4;
	v21 =	vsel vm1, $0x1, v10;
	vm1 =	vlt.s32 v16, v6  }
0xc1: {  	vm4 =	vlt.s32 v16, v8;
	v22 =	vsel vm3, $0x1, v10;
	v17 =	vadd.s32 v21, v17  }
0xc2: {  	v20 =	vsel vm4, $0x1, v10;
	v21 =	vsel vm2, $0x1, v10;
	vm2 =	vlt.s32 v7, v4  }
0xc3: {  	s5 =	smov.u32 s4;
	v17 =	vadd.s32 v20, v17;
	v21 =	vadd.s32 v21, v19;
	v20 =	vsel vm2, $0x1, v10  }
0xc4: {  	v19 =	vlaneseq.u32  }
0xc5: {  	v19 =	vmul.u32 $0x80, v19;
	_ =	sdelay $0x1  }
0xc6: {  	v23 =	vor.u32 $0x20, v19;
	_ =	sdelay $0x3  }
0xc7: {  	s3 =	simm.s32 $0x8880  }
0xc8: {  	v23 =	vld.idx.msk [tilespmem:v23+s3+$0x0], $0xffff;
	_ =	sdelay $0x3  }
0xc9: {  	v24 =	vsel vm1, $0x1, v10  }
0xca: {  	v18 =	vadd.s32 v22, v18;
	s4 =	simm.s32 $0x0;
	vm1 =	vlt.s32 v16, v4;
	v60 =	vmax.f32 v23, $1.000000000e+00  }
0xcb: {  	vm2 =	vlt.s32 v16, v5;
	v61 =	vmov s4;
	(erf) = vrcp.f32 v60  }
0xcc: {  	v63 =	vsel vm0, $0x1, v10;
	vm0 =	vlt.s32 v7, v8;
	v22 =	vand.u32 $0x7F, v61  }
0xcd: {  	v62 =	vsel vm1, $0x1, v10;
	vm1 =	vlt.s32 v7, v6;
	v22 =	vbroadcast v22, $0x0  }
0xce: {  	v21 =	vadd.s32 v24, v21;
	v15 =	vadd.s32 v63, v15;
	v16 =	vsel vm1, $0x1, v10  }
0xcf: {  	v18 =	vadd.s32 v62, v18;
	v21 =	vadd.s32 v16, v21;
	v16 =	vor.u32 v19, v22  }
0xd0: {  	vm1 =	vlt.s32 v7, v5;
	v18 =	vadd.s32 v20, v18;
	v20 =	vsel vm2, $0x1, v10  }
0xd1: {  	v7 =	vadd.s32 v14, v18;
	v14 =	vsel vm0, $0x1, v10;
	v15 =	vadd.s32 v20, v15  }
0xd2: {  	s6 =	simm.s32 $0x1;
	v10 =	vsel vm1, $0x1, v10;
	v13 =	vadd.s32 v13, v21;
	v14 =	vadd.s32 v14, v17  }
0xd3: {  	v10 =	vadd.s32 v10, v15;
	v17 =	vmov s6;
	v14 =	vadd.s32 v12, v14  }
0xd4: {  	s5 =	simm.s32 $0xA880;
	s4 =	simm.s32 $0xC880;
	s6 =	simm.s32 $0x2;
	v10 =	vadd.s32 v11, v10;
	v11 =	vmov v16;
	v15 =	vld.idx.msk [tilespmem:v16+s3+$0x0], $0xffff;
	vm0 =	vgt.f32 v23, $0.0e+00;
	v12 =	vpop (erf)  }
.LBB2_8:
0xd5: {  	p0 =	sne.s32 s6, $0x1F;
	v17 =	vand.u32 $0x7F, v17;
	v18 =	vld.idx.msk [tilespmem:v16+s5+$0x0], $0xffff  }
0xd6: {  	v16 =	vbroadcast v17, $0x0;
	_ =	sdelay $0x1  }
0xd7: {  	v16 =	vor.u32 v19, v16  }
0xd8: {  	v15 =	vmul.f32 v15, v12  }
.Ltmp4:
0xd9: {  	(pc) =	sbr.rel @p0 .LBB2_8-.Ltmp4, $4  }
0xda: {  	v15 =	vsel vm0, v15, v18  }
0xdb: {  	[tilespmem:v11+s4+$0x0] =	vst.idx.msk $0xffff, v15;
	v11 =	vmov v16  }
0xdc: {  	v15 =	vld.idx.msk [tilespmem:v16+s3+$0x0], $0xffff  }
0xdd: {  	v17 =	vmov s6;
	s6 =	sadd.s32 $0x1, s6  }
0xde: {  	_ =	sdelay $0x2  }
0xdf: {  	v17 =	vand.u32 $0x7F, v17;
	(xrf0) =	vadd.scan.msk.s32 $0xffff, v9  }
0xe0: {  	v9 =	vld.idx.msk [tilespmem:v16+s5+$0x0], $0xffff;
	v16 =	vbroadcast v17, $0x0  }
0xe1: {  	v15 =	vmul.f32 v15, v12  }
0xe2: {  	v16 =	vor.u32 v19, v16;
	_ =	sdelay $0x2  }
0xe3: {  	v9 =	vsel vm0, v15, v9;
	v15, _, _ =	vpop (xrf0)  }
0xe4: {  	[tilespmem:v11+s4+$0x0] =	vst.idx.msk $0xffff, v9;
	v11 =	vbroadcast v15, $0xF  }
0xe5: {  	v15 =	vld.idx.msk [tilespmem:v16+s3+$0x0], $0xffff  }
0xe6: {  	vm1 =	vgt.s32 v8, $0x3FF;
	v8 =	vsub.s32 $0x400, v11;
	v9 =	vsub.s32 $0x0, v11  }
0xe7: {  	v18 =	vimm.s32 $0x0;
	v17 =	vld.idx.msk [tilespmem:v16+s5+$0x0], $0xffff;
	v19 =	vsel vm1, v9, v8  }
0xe8: {  	vm1 =	vlt.s32 v18, v11;
	v14 =	vadd.s32 v19, v14  }
0xe9: {  	v3 =	vsel vm1, v14, v3  }
0xea: {  	v12 =	vmul.f32 v15, v12  }
0xeb: {  	v14 =	vlaneseq.u32  }
0xec: {  	v14 =	vmul.u32 $0x80, v14;
	v12 =	vsel vm0, v12, v17  }
0xed: {  	s30 =	simm.s32 $0x0;
	s3 =	simm.s32 $0xC880;
	vm0 =	vmmov $0xffff;
	[tilespmem:v16+s4+$0x0] =	vst.idx.msk $0xffff, v12  }
0xee: {  	[hbm4b:s2+s30] =	stream.indirect_vreg.scatter [tilespmem:s3], [sflag:$0x3], $0x80, v3, vm0, $0xb8;
	v3 =	vor.u32 $0x820, v14;
	[tilespmem:$0x108C0] =	vst v63  }
0xef: {  	s31 =	simm.s32 $0x3  }
0xf0: {  	_ =	swait.ge [sflag:s31], $0x800  }
0xf1: {  	[sflag:s31] =	ssyncset.done $0x0  }
0xf2: {  	s4 =	simm.s32 $0x8880;
	[sflag:s31] =	ssyncadd.s32 $0xFFFFF800  }
0xf3: {  	v16 =	vld.idx.msk [tilespmem:v3+s4+$0x0], $0xffff;
	_ =	sdelay $0x4  }
0xf4: {  	v3 =	vmax.f32 v16, $1.000000000e+00  }
0xf5: {  	(erf) = vrcp.f32 v3;
	v3 =	vmov s30  }
0xf6: {  	v3 =	vand.u32 $0x7F, v3  }
0xf7: {  	v3 =	vbroadcast v3, $0x0  }
0xf8: {  	v12 =	vor.u32 $0x800, v14  }
0xf9: {  	v15 =	vor.u32 v12, v3;
	_ =	sdelay $0x3  }
0xfa: {  	s6 =	simm.s32 $0x1  }
0xfb: {  	s5 =	simm.s32 $0xA880;
	v17 =	vmov s6;
	s6 =	simm.s32 $0x2;
	vm2 =	vgt.f32 v16, $0.0e+00;
	v14 =	vmov v15;
	v3 =	vpop (erf);
	v16 =	vld.idx.msk [tilespmem:v15+s4+$0x0], $0xffff  }
.LBB2_10:
0xfc: {  	p0 =	sne.s32 s6, $0x1F;
	v17 =	vand.u32 $0x7F, v17;
	v18 =	vld.idx.msk [tilespmem:v15+s5+$0x0], $0xffff  }
0xfd: {  	v15 =	vbroadcast v17, $0x0;
	_ =	sdelay $0x1  }
0xfe: {  	v15 =	vor.u32 v12, v15  }
0xff: {  	v16 =	vmul.f32 v16, v3  }
.Ltmp5:
0x100: {  	(pc) =	sbr.rel @p0 .LBB2_10-.Ltmp5, $4  }
0x101: {  	v16 =	vsel vm2, v16, v18  }
0x102: {  	[tilespmem:v14+s3+$0x0] =	vst.idx.msk $0xffff, v16;
	v14 =	vmov v15  }
0x103: {  	v16 =	vld.idx.msk [tilespmem:v15+s4+$0x0], $0xffff  }
0x104: {  	v17 =	vmov s6;
	s6 =	sadd.s32 $0x1, s6  }
0x105: {  	_ =	sdelay $0x2  }
0x106: {  	v17 =	vand.u32 $0x7F, v17  }
0x107: {  	v15 =	vld.idx.msk [tilespmem:v15+s5+$0x0], $0xffff;
	v17 =	vbroadcast v17, $0x0;
	_ =	sdelay $0x1  }
0x108: {  	v12 =	vor.u32 v12, v17  }
0x109: {  	v16 =	vmul.f32 v16, v3;
	_ =	sdelay $0x1  }
0x10a: {  	v15 =	vsel vm2, v16, v15  }
0x10b: {  	[tilespmem:v14+s3+$0x0] =	vst.idx.msk $0xffff, v15  }
0x10c: {  	v14 =	vld.idx.msk [tilespmem:v12+s4+$0x0], $0xffff  }
0x10d: {  	vm1 =	vgt.s32 v6, $0x3FF  }
0x10e: {  	v15 =	vsel vm1, v9, v8;
	v6 =	vld.idx.msk [tilespmem:v12+s5+$0x0], $0xffff  }
0x10f: {  	vm1 =	vgt.s32 v11, $0x0;
	v11 =	vadd.s32 v15, v13  }
0x110: {  	v2 =	vsel vm1, v11, v2  }
0x111: {  	v3 =	vmul.f32 v14, v3  }
0x112: {  	v11 =	vlaneseq.u32  }
0x113: {  	v3 =	vsel vm2, v3, v6;
	v6 =	vmul.u32 $0x80, v11  }
0x114: {  	s29 =	simm.s32 $0x0;
	s30 =	simm.s32 $0xD080;
	[tilespmem:v12+s3+$0x0] =	vst.idx.msk $0xffff, v3  }
0x115: {  	[hbm4b:s2+s29] =	stream.indirect_vreg.scatter [tilespmem:s30], [sflag:$0x3], $0x80, v2, vm0, $0xb8;
	v2 =	vor.u32 $0x1020, v6;
	[tilespmem:$0x108C0] =	vst v63  }
0x116: {  	s31 =	simm.s32 $0x3  }
0x117: {  	_ =	swait.ge [sflag:s31], $0x800  }
0x118: {  	[sflag:s31] =	ssyncset.done $0x0  }
0x119: {  	s3 =	simm.s32 $0x8880;
	[sflag:s31] =	ssyncadd.s32 $0xFFFFF800  }
0x11a: {  	v12 =	vld.idx.msk [tilespmem:v2+s3+$0x0], $0xffff;
	_ =	sdelay $0x4  }
0x11b: {  	v2 =	vmax.f32 v12, $1.000000000e+00  }
0x11c: {  	(erf) = vrcp.f32 v2;
	v2 =	vmov s29  }
0x11d: {  	v2 =	vand.u32 $0x7F, v2  }
0x11e: {  	v2 =	vbroadcast v2, $0x0  }
0x11f: {  	v3 =	vor.u32 $0x1000, v6  }
0x120: {  	v11 =	vor.u32 v3, v2;
	_ =	sdelay $0x3  }
0x121: {  	s6 =	simm.s32 $0x1  }
0x122: {  	v13 =	vmov s6;
	s6 =	simm.s32 $0x2;
	s5 =	simm.s32 $0xA880;
	s4 =	simm.s32 $0xC880;
	vm2 =	vgt.f32 v12, $0.0e+00;
	v6 =	vmov v11;
	v2 =	vpop (erf);
	v12 =	vld.idx.msk [tilespmem:v11+s3+$0x0], $0xffff  }
.LBB2_12:
0x123: {  	p0 =	sne.s32 s6, $0x1F;
	v13 =	vand.u32 $0x7F, v13;
	v14 =	vld.idx.msk [tilespmem:v11+s5+$0x0], $0xffff  }
0x124: {  	v11 =	vbroadcast v13, $0x0;
	_ =	sdelay $0x1  }
0x125: {  	v11 =	vor.u32 v3, v11  }
0x126: {  	v12 =	vmul.f32 v12, v2  }
.Ltmp6:
0x127: {  	(pc) =	sbr.rel @p0 .LBB2_12-.Ltmp6, $4  }
0x128: {  	v12 =	vsel vm2, v12, v14  }
0x129: {  	[tilespmem:v6+s4+$0x0] =	vst.idx.msk $0xffff, v12;
	v6 =	vmov v11  }
0x12a: {  	v12 =	vld.idx.msk [tilespmem:v11+s3+$0x0], $0xffff  }
0x12b: {  	v13 =	vmov s6;
	s6 =	sadd.s32 $0x1, s6  }
0x12c: {  	_ =	sdelay $0x2  }
0x12d: {  	v13 =	vand.u32 $0x7F, v13  }
0x12e: {  	v11 =	vld.idx.msk [tilespmem:v11+s5+$0x0], $0xffff;
	v13 =	vbroadcast v13, $0x0;
	_ =	sdelay $0x1  }
0x12f: {  	v3 =	vor.u32 v3, v13  }
0x130: {  	v12 =	vmul.f32 v12, v2;
	_ =	sdelay $0x1  }
0x131: {  	v11 =	vsel vm2, v12, v11  }
0x132: {  	[tilespmem:v6+s4+$0x0] =	vst.idx.msk $0xffff, v11  }
0x133: {  	v6 =	vld.idx.msk [tilespmem:v3+s3+$0x0], $0xffff  }
0x134: {  	vm3 =	vgt.s32 v5, $0x3FF  }
0x135: {  	v5 =	vsel vm3, v9, v8;
	v11 =	vld.idx.msk [tilespmem:v3+s5+$0x0], $0xffff  }
0x136: {  	v5 =	vadd.s32 v5, v10  }
0x137: {  	v1 =	vsel vm1, v5, v1  }
0x138: {  	v2 =	vmul.f32 v6, v2  }
0x139: {  	v5 =	vlaneseq.u32  }
0x13a: {  	v5 =	vmul.u32 $0x80, v5;
	v2 =	vsel vm2, v2, v11  }
0x13b: {  	s29 =	simm.s32 $0x0;
	s30 =	simm.s32 $0xD880;
	[tilespmem:v3+s4+$0x0] =	vst.idx.msk $0xffff, v2  }
0x13c: {  	[hbm4b:s2+s29] =	stream.indirect_vreg.scatter [tilespmem:s30], [sflag:$0x3], $0x80, v1, vm0, $0xb8;
	v1 =	vor.u32 $0x1820, v5;
	[tilespmem:$0x108C0] =	vst v63  }
0x13d: {  	s31 =	simm.s32 $0x3  }
0x13e: {  	_ =	swait.ge [sflag:s31], $0x800  }
0x13f: {  	[sflag:s31] =	ssyncset.done $0x0  }
0x140: {  	s3 =	simm.s32 $0x8880;
	[sflag:s31] =	ssyncadd.s32 $0xFFFFF800  }
0x141: {  	v3 =	vld.idx.msk [tilespmem:v1+s3+$0x0], $0xffff;
	_ =	sdelay $0x4  }
0x142: {  	v1 =	vmax.f32 v3, $1.000000000e+00  }
0x143: {  	(erf) = vrcp.f32 v1;
	v1 =	vmov s29  }
0x144: {  	v1 =	vand.u32 $0x7F, v1  }
0x145: {  	v1 =	vbroadcast v1, $0x0  }
0x146: {  	v2 =	vor.u32 $0x1800, v5  }
0x147: {  	v5 =	vor.u32 v2, v1;
	_ =	sdelay $0x3  }
0x148: {  	s6 =	simm.s32 $0x1  }
0x149: {  	v10 =	vmov s6;
	s6 =	simm.s32 $0x2;
	s5 =	simm.s32 $0xA880;
	s4 =	simm.s32 $0xC880;
	vm2 =	vgt.f32 v3, $0.0e+00;
	v3 =	vmov v5;
	v1 =	vpop (erf);
	v6 =	vld.idx.msk [tilespmem:v5+s3+$0x0], $0xffff  }
.LBB2_14:
0x14a: {  	p0 =	sne.s32 s6, $0x1F;
	v10 =	vand.u32 $0x7F, v10;
	v11 =	vld.idx.msk [tilespmem:v5+s5+$0x0], $0xffff  }
0x14b: {  	v5 =	vbroadcast v10, $0x0;
	_ =	sdelay $0x1  }
0x14c: {  	v5 =	vor.u32 v2, v5  }
0x14d: {  	v6 =	vmul.f32 v6, v1  }
.Ltmp7:
0x14e: {  	(pc) =	sbr.rel @p0 .LBB2_14-.Ltmp7, $4  }
0x14f: {  	v6 =	vsel vm2, v6, v11  }
0x150: {  	[tilespmem:v3+s4+$0x0] =	vst.idx.msk $0xffff, v6;
	v3 =	vmov v5  }
0x151: {  	v6 =	vld.idx.msk [tilespmem:v5+s3+$0x0], $0xffff  }
0x152: {  	v10 =	vmov s6;
	s6 =	sadd.s32 $0x1, s6  }
0x153: {  	_ =	sdelay $0x2  }
0x154: {  	v10 =	vand.u32 $0x7F, v10  }
0x155: {  	v5 =	vld.idx.msk [tilespmem:v5+s5+$0x0], $0xffff;
	v10 =	vbroadcast v10, $0x0;
	_ =	sdelay $0x1  }
0x156: {  	v2 =	vor.u32 v2, v10  }
0x157: {  	v6 =	vmul.f32 v6, v1;
	_ =	sdelay $0x1  }
0x158: {  	v5 =	vsel vm2, v6, v5  }
0x159: {  	[tilespmem:v3+s4+$0x0] =	vst.idx.msk $0xffff, v5  }
0x15a: {  	v3 =	vld.idx.msk [tilespmem:v2+s3+$0x0], $0xffff  }
0x15b: {  	vm3 =	vgt.s32 v4, $0x3FF  }
0x15c: {  	v4 =	vsel vm3, v9, v8;
	v5 =	vld.idx.msk [tilespmem:v2+s5+$0x0], $0xffff  }
0x15d: {  	v4 =	vadd.s32 v4, v7  }
0x15e: {  	v0 =	vsel vm1, v4, v0  }
0x15f: {  	v63 =	vmul.f32 v3, v1;
	_ =	sdelay $0x1  }
0x160: {  	v1 =	vsel vm2, v63, v5  }
0x161: {  	s29 =	simm.s32 $0x0;
	s30 =	simm.s32 $0xE080;
	s31 =	simm.s32 $0x3;
	[tilespmem:v2+s4+$0x0] =	vst.idx.msk $0xffff, v1  }
0x162: {  	[hbm4b:s2+s29] =	stream.indirect_vreg.scatter [tilespmem:s30], [sflag:$0x3], $0x80, v0, vm0, $0xb8;
	[tilespmem:$0x108C0] =	vst v63  }
0x163: {  	_ =	swait.ge [sflag:s31], $0x800  }
0x164: {  	[sflag:s31] =	ssyncset.done $0x0  }
0x165: {  	[sflag:s31] =	ssyncadd.s32 $0xFFFFF800  }
.LBB2_16:
0x166: {  	_ =	sfence.sel $0x180000  }
0x167: {  	[bflag:$0x0] =	sbarrier.arrive $0xFFFF  }
0x168: {  	p0 =	sne.s32 s1, $0x0;
	_ =	strace $0x90000047  }
0x169: {  	s0 =	sadd.s32 @!p0 $0x100000, s0;
	[bflag:$0x2] =	sbarrier.arrive $0xFFFF  }
0x16a: {  	[sflag:s0] =	ssyncadd.tile.s32 @!p0 $0x1;
	_ =	shalt  }
.Lfunc_end2:
_tile_overlayer_lowered:
.L_overlay_start_2:
0x16b: {  	(tag) =	ssettag $0x2  }
0x16c: {  	s0 =	rddreg [dreg:$0x0];
	s2 =	stileid.u32  }
0x16d: {  	s1 =	rddreg [dreg:$0x1];
	p0 =	sne.s32 s2, $0x0  }
0x16e: {  	s3 =	rddreg [dreg:$0x2];
	[bflag:$0x3] =	sbarrier.arrive $0xFFFF;
	s2 =	simm.s32 @!p0 $0x1C03  }
0x16f: {  	[timem:s3], [sflag:s2] =	dma.local @!p0 [hbm:s0], s1  }
0x170: {  	s0 =	simm.s32 @!p0 $0x3  }
0x171: {  	_ =	swait.ge @!p0 [sflag:s0], s1  }
0x172: {  	s1 =	ssub.s32 @!p0 $0x0, s1;
	[sflag:s0] =	ssyncset.done @!p0 $0x0  }
0x173: {  	[sflag:s0] =	ssyncadd.s32 @!p0 s1  }
0x174: {  	[bflag:$0x3] =	sbarrier.arrive $0xFFFF  }
0x175: {  	_ =	shalt  }

</sc_bundles>
